<compile_context>
chip_gen: v7x
topology: tpu7x:2x2x1
jax: 0.10.2.dev20260603
libtpu: 0.0.44.dev20260713+nightly
codegen_flags: <defaults>
</compile_context>

<pallas_src>
import functools

import jax
import jax.numpy as jnp
from jax import lax
from jax.experimental import pallas as pl
from jax.experimental.pallas import tpu as pltpu
from jax.experimental.pallas import tpu_sc as plsc

N = 10000
NP = 10240
E = 160000
D = 256
OUT = 128
NC = 2
NS = 16
EDGES_PER_W = E // (NC * NS)
EDGES_PER_T = E // NS
K = 80
NCHUNK = EDGES_PER_T // K
ROWS_PER_T = NP // NS

BLK = 400
GRID = N // BLK

_mesh = plsc.VectorSubcoreMesh(core_axis_name="c", subcore_axis_name="s")



@functools.partial(
    pl.kernel,
    out_type=jax.ShapeDtypeStruct((NC * NS, 2 * NP), jnp.float32),
    mesh=_mesh,
    compiler_params=pltpu.CompilerParams(needs_layout_passes=False),
    scratch_types=[
        pltpu.VMEM((5008,), jnp.int32),
        pltpu.VMEM((5008,), jnp.float32),
        pltpu.VMEM((2 * NP,), jnp.float32),
    ],
)
def _sc_deg(col_hbm, ew_hbm, out_hbm, col_v, ew_v, deg_v):
    c = lax.axis_index("c")
    s = lax.axis_index("s")
    w = s * NC + c
    iota = lax.iota(jnp.int32, 16)
    zf = jnp.zeros((16,), jnp.float32)
    ones = jnp.ones((16,), jnp.float32)

    def zero_body(k, carry):
        deg_v[pl.ds(k * 16, 16)] = zf
        return carry
    lax.fori_loop(0, (2 * NP) // 16, zero_body, 0)

    base = w * EDGES_PER_W
    pltpu.sync_copy(col_hbm.at[pl.ds(base, EDGES_PER_W)],
                    col_v.at[pl.ds(0, EDGES_PER_W)])
    pltpu.sync_copy(ew_hbm.at[pl.ds(base, EDGES_PER_W)],
                    ew_v.at[pl.ds(0, EDGES_PER_W)])

    def edge_body(k, carry):
        cv = col_v[pl.ds(k * 16, 16)]
        ev = ew_v[pl.ds(k * 16, 16)]
        msk = (k * 16 + iota) < EDGES_PER_W
        plsc.addupdate_scatter(deg_v, [cv], ev, mask=msk)
        plsc.addupdate_scatter(deg_v, [cv + NP], ones, mask=msk)
        return carry
    lax.fori_loop(0, 313, edge_body, 0)

    pltpu.sync_copy(deg_v, out_hbm.at[w])


def _tc_degsum(degp):
    def body(d_ref, o_ref):
        o_ref[...] = jnp.sum(d_ref[...], axis=0)
    return pl.pallas_call(
        body,
        grid=(4,),
        in_specs=[pl.BlockSpec((NC * NS, 40, 128), lambda i: (0, i, 0))],
        out_specs=pl.BlockSpec((40, 128), lambda i: (i, 0)),
        out_shape=jax.ShapeDtypeStruct((160, 128), jnp.float32),
    )(degp)



def _make_agg(weighted):
    scratch = [
        pltpu.VMEM((K,), jnp.int32),
        pltpu.VMEM((K,), jnp.int32),
        pltpu.VMEM((K,), jnp.float32),
        pltpu.VMEM((K, 128), jnp.float32),
        pltpu.VMEM_SHARED((NP, 128), jnp.float32),
    ]

    def body(h_hbm, row_hbm, col_hbm, ew_hbm, zeros_hbm, out_hbm,
             gidx_v, sidx_v, ew_v, rows_v, acc):
        c = lax.axis_index("c")
        s = lax.axis_index("s")

        pltpu.sync_copy(zeros_hbm, acc.at[pl.ds(s * ROWS_PER_T, ROWS_PER_T)])
        plsc.subcore_barrier()

        coff = c * NP

        def chunk(k, carry):
            base = s * EDGES_PER_T + k * K
            pltpu.sync_copy(row_hbm.at[pl.ds(base, K)], gidx_v)
            pltpu.sync_copy(col_hbm.at[pl.ds(base, K)], sidx_v)
            if weighted:
                pltpu.sync_copy(ew_hbm.at[pl.ds(base, K)], ew_v)
            for j in range(K // 16):
                gidx_v[pl.ds(j * 16, 16)] = gidx_v[pl.ds(j * 16, 16)] + coff
            pltpu.sync_copy(h_hbm.at[gidx_v], rows_v)
            if weighted:
                def scale(e, carry2):
                    sv = plsc.load_gather(ew_v, [jnp.full((16,), e, jnp.int32)])
                    for j in range(8):
                        rows_v[e, pl.ds(j * 16, 16)] = (
                            rows_v[e, pl.ds(j * 16, 16)] * sv)
                    return carry2
                lax.fori_loop(0, K, scale, 0)
            pltpu.sync_copy(rows_v, acc.at[sidx_v], add=True)
            return carry
        lax.fori_loop(0, NCHUNK, chunk, 0)

        plsc.subcore_barrier()
        pltpu.sync_copy(acc.at[pl.ds(s * ROWS_PER_T, ROWS_PER_T)],
                        out_hbm.at[pl.ds(c * NP + s * ROWS_PER_T, ROWS_PER_T)])

    if not weighted:
        def body_nw(h_hbm, row_hbm, col_hbm, zeros_hbm, out_hbm,
                    gidx_v, sidx_v, ew_v, rows_v, acc):
            return body(h_hbm, row_hbm, col_hbm, None, zeros_hbm, out_hbm,
                        gidx_v, sidx_v, ew_v, rows_v, acc)
        fn = body_nw
    else:
        fn = body

    return pl.kernel(
        fn,
        out_type=jax.ShapeDtypeStruct((2 * NP, 128), jnp.float32),
        mesh=_mesh,
        compiler_params=pltpu.CompilerParams(needs_layout_passes=False),
        scratch_types=scratch,
    )


_sc_agg_w = _make_agg(True)
_sc_agg = _make_agg(False)



def _tc_h1s(x, W1, degp):
    def body(x_ref, w_ref, d_ref, o_ref):
        h = jnp.dot(x_ref[...], w_ref[...], preferred_element_type=jnp.float32)
        dp = d_ref[...]
        h = h * lax.rsqrt(1.0 + dp[0])
        o_ref[0] = h[:, :128]
        o_ref[1] = h[:, 128:]
    return pl.pallas_call(
        body,
        grid=(GRID,),
        in_specs=[pl.BlockSpec((BLK, D), lambda i: (i, 0)),
                  pl.BlockSpec((D, D), lambda i: (0, 0)),
                  pl.BlockSpec((2, BLK, 1), lambda i: (0, i, 0))],
        out_specs=pl.BlockSpec((2, BLK, 128), lambda i: (0, i, 0)),
        out_shape=jax.ShapeDtypeStruct((2, NP, 128), jnp.float32),
    )(x, W1, degp)


def _tc_mid(agg1, h1s, degp, Ws, b1r, bsr, gr, br):
    def body(a_ref, h_ref, d_ref, w_ref, b1_ref, bs_ref, g_ref, bb_ref, o_ref):
        t = a_ref[...] + h_ref[...]
        dp = d_ref[...]
        dinv1 = lax.rsqrt(1.0 + dp[0])
        dinv2 = lax.rsqrt(1.0 + dp[1])
        z = jnp.concatenate([t[0], t[1]], axis=1)
        z = z * dinv1 + b1_ref[...]
        z = jnp.maximum(z, 0.0)
        m = jnp.mean(z, axis=1, keepdims=True)
        zc = z - m
        v = jnp.mean(zc * zc, axis=1, keepdims=True)
        z = zc * lax.rsqrt(v + 1e-5) * g_ref[...] + bb_ref[...]
        h2 = jnp.dot(z, w_ref[...], preferred_element_type=jnp.float32)
        h2 = (h2 + bs_ref[...]) * dinv2
        o_ref[0] = h2[:, :128]
        o_ref[1] = h2[:, 128:]
    return pl.pallas_call(
        body,
        grid=(GRID,),
        in_specs=[pl.BlockSpec((2, BLK, 128), lambda i: (0, i, 0)),
                  pl.BlockSpec((2, BLK, 128), lambda i: (0, i, 0)),
                  pl.BlockSpec((2, BLK, 1), lambda i: (0, i, 0)),
                  pl.BlockSpec((D, D), lambda i: (0, 0)),
                  pl.BlockSpec((1, D), lambda i: (0, 0)),
                  pl.BlockSpec((1, D), lambda i: (0, 0)),
                  pl.BlockSpec((1, D), lambda i: (0, 0)),
                  pl.BlockSpec((1, D), lambda i: (0, 0))],
        out_specs=pl.BlockSpec((2, BLK, 128), lambda i: (0, i, 0)),
        out_shape=jax.ShapeDtypeStruct((2, NP, 128), jnp.float32),
    )(agg1, h1s, degp, Ws, b1r, bsr, gr, br)


def _tc_out(agg2, h2s, degp, Wout, boutr):
    def body(a_ref, h_ref, d_ref, w_ref, b_ref, o_ref):
        t = a_ref[...] + h_ref[...]
        dp = d_ref[...]
        dinv2 = lax.rsqrt(1.0 + dp[1])
        z = jnp.concatenate([t[0], t[1]], axis=1)
        z = jnp.maximum(z * dinv2, 0.0)
        o_ref[...] = (jnp.dot(z, w_ref[...], preferred_element_type=jnp.float32)
                      + b_ref[...])
    return pl.pallas_call(
        body,
        grid=(GRID,),
        in_specs=[pl.BlockSpec((2, BLK, 128), lambda i: (0, i, 0)),
                  pl.BlockSpec((2, BLK, 128), lambda i: (0, i, 0)),
                  pl.BlockSpec((2, BLK, 1), lambda i: (0, i, 0)),
                  pl.BlockSpec((D, OUT), lambda i: (0, 0)),
                  pl.BlockSpec((1, OUT), lambda i: (0, 0))],
        out_specs=pl.BlockSpec((BLK, OUT), lambda i: (i, 0)),
        out_shape=jax.ShapeDtypeStruct((N, OUT), jnp.float32),
    )(agg2, h2s, degp, Wout, boutr)


def kernel(x, edge_index, edge_attr, W1, b1, Ws, bs, ln_g, ln_b, Wout, bout):
    row = edge_index[0]
    col = edge_index[1]

    degp = _sc_deg(col, edge_attr)
    deg = _tc_degsum(degp.reshape(NC * NS, 160, 128))
    deg = deg.reshape(2, NP, 1)

    zeros = jnp.zeros((ROWS_PER_T, 128), jnp.float32)

    h1s = _tc_h1s(x, W1, deg)
    agg1 = _sc_agg_w(h1s.reshape(2 * NP, 128), row, col, edge_attr, zeros)
    h2s = _tc_mid(agg1.reshape(2, NP, 128), h1s, deg, Ws,
                  b1.reshape(1, D), bs.reshape(1, D),
                  ln_g.reshape(1, D), ln_b.reshape(1, D))
    agg2 = _sc_agg(h2s.reshape(2 * NP, 128), row, col, zeros)
    out = _tc_out(agg2.reshape(2, NP, 128), h2s, deg, Wout,
                  bout.reshape(1, OUT))
    return out

# --- scband reference (transcript-rebuilt; emitter-appended) ---
"""Pipeline reference for scband-gnn-stack-26817775797030 (READ-ONLY COPY).

The authoritative reference and input builder live on the scoring server;
editing this copy changes nothing except your own understanding.
"""

import jax, jax.numpy as jnp
import numpy as np

N = 10000
E = 160000
D = 256
OUT = 128


def setup_inputs(seed: int = 0) -> dict:
    key = jax.random.key(seed)
    ks = jax.random.split(key, 8)
    x = jax.random.normal(ks[0], (N, D), dtype=jnp.float32)
    edge_index = jax.random.randint(ks[1], (2, E), 0, N, dtype=jnp.int32)
    edge_attr = jax.random.uniform(ks[2], (E,), dtype=jnp.float32)
    # GCNConv linear: glorot init (approx with scaled normal), bias zeros
    W1 = jax.random.normal(ks[3], (D, D), dtype=jnp.float32) * (2.0 / (D + D)) ** 0.5
    b1 = jnp.zeros((D,), dtype=jnp.float32)
    # CustomConv lin_self: xavier_uniform with gain=0.001 (approx), bias zeros
    Ws = jax.random.normal(ks[4], (D, D), dtype=jnp.float32) * 0.001 * (2.0 / (D + D)) ** 0.5
    bs = jnp.zeros((D,), dtype=jnp.float32)
    ln_g = jnp.ones((D,), dtype=jnp.float32)
    ln_b = jnp.zeros((D,), dtype=jnp.float32)
    Wout = jax.random.normal(ks[5], (D, OUT), dtype=jnp.float32) * (2.0 / (D + OUT)) ** 0.5
    bout = jnp.zeros((OUT,), dtype=jnp.float32)
    return {"x": x, "edge_index": edge_index, "edge_attr": edge_attr,
            "W1": W1, "b1": b1, "Ws": Ws, "bs": bs,
            "ln_g": ln_g, "ln_b": ln_b, "Wout": Wout, "bout": bout}


def _safe_rsqrt(deg):
    return jnp.where(deg > 0, jax.lax.rsqrt(jnp.where(deg > 0, deg, 1.0)), 0.0)


def _gcn_conv(x, edge_index, edge_weight, W, b):
    # PyG GCNConv with edge_weight: add self loops (fill 1), symmetric norm, lin, aggregate, + bias
    n = x.shape[0]
    loop = jnp.arange(n, dtype=edge_index.dtype)
    row = jnp.concatenate([edge_index[0], loop])
    col = jnp.concatenate([edge_index[1], loop])
    ew = jnp.concatenate([edge_weight, jnp.ones((n,), dtype=x.dtype)])
    deg = jnp.zeros((n,), dtype=x.dtype).at[col].add(ew)
    dinv = _safe_rsqrt(deg)
    norm = dinv[row] * ew * dinv[col]
    h = x @ W
    out = jnp.zeros((n, h.shape[1]), dtype=x.dtype).at[col].add(norm[:, None] * h[row])
    return out + b


def _custom_conv(x, edge_index, Ws, bs):
    # CustomConv: add self loops, x = lin_self(x), norm = dinv[row]*dinv[col] (degree counts), scatter-add
    n = x.shape[0]
    loop = jnp.arange(n, dtype=edge_index.dtype)
    row = jnp.concatenate([edge_index[0], loop])
    col = jnp.concatenate([edge_index[1], loop])
    deg = jnp.zeros((n,), dtype=x.dtype).at[col].add(jnp.ones(col.shape, dtype=x.dtype))
    dinv = _safe_rsqrt(deg)
    norm = dinv[row] * dinv[col]
    h = x @ Ws + bs
    out = jnp.zeros((n, h.shape[1]), dtype=x.dtype).at[col].add(norm[:, None] * h[row])
    return out


def _layer_norm(x, g, b):
    m = jnp.mean(x, axis=-1, keepdims=True)
    v = jnp.var(x, axis=-1, keepdims=True)
    return (x - m) / jnp.sqrt(v + 1e-5) * g + b


def reference(x, edge_index, edge_attr, W1, b1, Ws, bs, ln_g, ln_b, Wout, bout):
    # layer 0: GCNConv -> relu -> (dropout eval: identity) -> LayerNorm
    h = _gcn_conv(x, edge_index, edge_attr, W1, b1)
    h = jax.nn.relu(h)
    h = _layer_norm(h, ln_g, ln_b)
    # layer 1 (last): CustomConv -> relu -> (dropout eval: identity)
    h = _custom_conv(h, edge_index, Ws, bs)
    h = jax.nn.relu(h)
    # post processing linear
    out = h @ Wout + bout
    return out

if __name__ == "__main__":
    import jax
    _d = setup_inputs()
    print(jax.jit(kernel)(*tuple(_d.values())))

</pallas_src>

<mosaic_0001>
#map = affine_map<(d0, d1) -> (0, 0)>
#map1 = affine_map<(d0, d1) -> (0)>
module attributes {stable_mosaic.version = 14 : i64} {
  func.func @body_nw(%arg0: i32, %arg1: i32, %arg2: memref<20480x128xf32, #tpu.memory_space<hbm>>, %arg3: memref<160000xi32, #tpu.memory_space<hbm>>, %arg4: memref<160000xi32, #tpu.memory_space<hbm>>, %arg5: memref<640x128xf32, #tpu.memory_space<hbm>>, %arg6: memref<20480x128xf32, #tpu.memory_space<hbm>>, %arg7: memref<80xi32, #tpu.memory_space<vmem>>, %arg8: memref<80xi32, #tpu.memory_space<vmem>>, %arg9: memref<80xf32, #tpu.memory_space<vmem>>, %arg10: memref<80x128xf32, #tpu.memory_space<vmem>>, %arg11: memref<10240x128xf32, #tpu.memory_space<vmem_shared>>) attributes {dimension_semantics = [#tpu.dimension_semantics<core_parallel>, #tpu.dimension_semantics<subcore_parallel>], iteration_bounds = array<i64: 2, 16>, scalar_prefetch = 0 : i64, scratch_operands = 5 : i64, tpu.core_type = #tpu.core_type<sc_vector_subcore>, window_params = [{transform_indices = #map}, {transform_indices = #map1}, {transform_indices = #map1}, {transform_indices = #map}, {transform_indices = #map}]} {
    %mul3A = arith.constant 640 : i32
    %mul3A_0 = arith.muli %arg1, %mul3A : i32
    "tpu.region"() ({
      %run_scoped3A = tpu.sem_alloc : memref<!tpu.dma_semaphore, #tpu.memory_space<semaphore_mem>>
      %dma_start3A = arith.constant 0 : i32
      %dma_start3A_15 = tpu.memref_slice %arg11[%mul3A_0, %dma_start3A] : memref<10240x128xf32, #tpu.memory_space<vmem_shared>> -> memref<640x128xf32, #tpu.memory_space<vmem_shared>>
      tpu.enqueue_dma source(%arg5 : memref<640x128xf32, #tpu.memory_space<hbm>>) target(%dma_start3A_15 : memref<640x128xf32, #tpu.memory_space<vmem_shared>>) target_semaphore(%run_scoped3A : memref<!tpu.dma_semaphore, #tpu.memory_space<semaphore_mem>>)
      %dma_wait3A = arith.constant 0 : i32
      %dma_wait3A_16 = tpu.memref_slice %arg11[%mul3A_0, %dma_wait3A] : memref<10240x128xf32, #tpu.memory_space<vmem_shared>> -> memref<640x128xf32, #tpu.memory_space<vmem_shared>>
      tpu.wait_dma2 semaphore(%run_scoped3A : memref<!tpu.dma_semaphore, #tpu.memory_space<semaphore_mem>>) src(%arg5 : memref<640x128xf32, #tpu.memory_space<hbm>>) dst(%dma_wait3A_16 : memref<640x128xf32, #tpu.memory_space<vmem_shared>>)
      tpu.yield
    }) : () -> ()
    %barrier3A = arith.constant 0 : index
    tpu.barrier barrier_id(%barrier3A)
    %mul3A_1 = arith.constant 10240 : i32
    %mul3A_2 = arith.muli %arg0, %mul3A_1 : i32
    %scan3A = arith.constant 0 : i32
    %scan3A_3 = arith.constant 0 : i32
    %scan3A_4 = arith.constant 125 : i32
    %scan3A_5 = arith.addi %scan3A_3, %scan3A_4 : i32
    %scan3A_6 = arith.constant 1 : i32
    scf.for %scan3A_15 = %scan3A_3 to %scan3A_5 step %scan3A_6  : i32 {
      %mul3A_16 = arith.constant 10000 : i32
      %mul3A_17 = arith.muli %arg1, %mul3A_16 : i32
      %mul3A_18 = arith.constant 80 : i32
      %mul3A_19 = arith.muli %scan3A_15, %mul3A_18 : i32
      %add3A_20 = arith.addi %mul3A_17, %mul3A_19 : i32
      "tpu.region"() ({
        %run_scoped3A = tpu.sem_alloc : memref<!tpu.dma_semaphore, #tpu.memory_space<semaphore_mem>>
        %dma_start3A = tpu.memref_slice %arg3[%add3A_20] : memref<160000xi32, #tpu.memory_space<hbm>> -> memref<80xi32, #tpu.memory_space<hbm>>
        %dma_start3A_49 = tpu.memref_slice %arg3[%add3A_20] : memref<160000xi32, #tpu.memory_space<hbm>> -> memref<80xi32, #tpu.memory_space<hbm>>
        tpu.enqueue_dma source(%dma_start3A_49 : memref<80xi32, #tpu.memory_space<hbm>>) target(%arg7 : memref<80xi32, #tpu.memory_space<vmem>>) target_semaphore(%run_scoped3A : memref<!tpu.dma_semaphore, #tpu.memory_space<semaphore_mem>>)
        %dma_wait3A = tpu.memref_slice %arg3[%add3A_20] : memref<160000xi32, #tpu.memory_space<hbm>> -> memref<80xi32, #tpu.memory_space<hbm>>
        %dma_wait3A_50 = tpu.memref_slice %arg3[%add3A_20] : memref<160000xi32, #tpu.memory_space<hbm>> -> memref<80xi32, #tpu.memory_space<hbm>>
        tpu.wait_dma2 semaphore(%run_scoped3A : memref<!tpu.dma_semaphore, #tpu.memory_space<semaphore_mem>>) src(%dma_wait3A_50 : memref<80xi32, #tpu.memory_space<hbm>>) dst(%arg7 : memref<80xi32, #tpu.memory_space<vmem>>)
        tpu.yield
      }) : () -> ()
      "tpu.region"() ({
        %run_scoped3A = tpu.sem_alloc : memref<!tpu.dma_semaphore, #tpu.memory_space<semaphore_mem>>
        %dma_start3A = tpu.memref_slice %arg4[%add3A_20] : memref<160000xi32, #tpu.memory_space<hbm>> -> memref<80xi32, #tpu.memory_space<hbm>>
        %dma_start3A_49 = tpu.memref_slice %arg4[%add3A_20] : memref<160000xi32, #tpu.memory_space<hbm>> -> memref<80xi32, #tpu.memory_space<hbm>>
        tpu.enqueue_dma source(%dma_start3A_49 : memref<80xi32, #tpu.memory_space<hbm>>) target(%arg8 : memref<80xi32, #tpu.memory_space<vmem>>) target_semaphore(%run_scoped3A : memref<!tpu.dma_semaphore, #tpu.memory_space<semaphore_mem>>)
        %dma_wait3A = tpu.memref_slice %arg4[%add3A_20] : memref<160000xi32, #tpu.memory_space<hbm>> -> memref<80xi32, #tpu.memory_space<hbm>>
        %dma_wait3A_50 = tpu.memref_slice %arg4[%add3A_20] : memref<160000xi32, #tpu.memory_space<hbm>> -> memref<80xi32, #tpu.memory_space<hbm>>
        tpu.wait_dma2 semaphore(%run_scoped3A : memref<!tpu.dma_semaphore, #tpu.memory_space<semaphore_mem>>) src(%dma_wait3A_50 : memref<80xi32, #tpu.memory_space<hbm>>) dst(%arg8 : memref<80xi32, #tpu.memory_space<vmem>>)
        tpu.yield
      }) : () -> ()
      %get3A = arith.constant 0 : index
      %get3A_21 = tpu.vector_load %arg7[%get3A] {strides = array<i32>} : memref<80xi32, #tpu.memory_space<vmem>>, vector<16xi32>,
      %add3A_22 = vector.broadcast %mul3A_2 : i32 to vector<16xi32>
      %add3A_23 = arith.addi %get3A_21, %add3A_22 : vector<16xi32>
      %swap3A = arith.constant 0 : index
      %swap3A_24 = tpu.vector_load %arg7[%swap3A] {strides = array<i32>} : memref<80xi32, #tpu.memory_space<vmem>>, vector<16xi32>,
      tpu.vector_store %arg7[%swap3A], %add3A_23 {strides = array<i32>} : memref<80xi32, #tpu.memory_space<vmem>>, vector<16xi32>,
      %get3A_25 = arith.constant 16 : index
      %get3A_26 = tpu.vector_load %arg7[%get3A_25] {strides = array<i32>} : memref<80xi32, #tpu.memory_space<vmem>>, vector<16xi32>,
      %add3A_27 = vector.broadcast %mul3A_2 : i32 to vector<16xi32>
      %add3A_28 = arith.addi %get3A_26, %add3A_27 : vector<16xi32>
      %swap3A_29 = arith.constant 16 : index
      %swap3A_30 = tpu.vector_load %arg7[%swap3A_29] {strides = array<i32>} : memref<80xi32, #tpu.memory_space<vmem>>, vector<16xi32>,
      tpu.vector_store %arg7[%swap3A_29], %add3A_28 {strides = array<i32>} : memref<80xi32, #tpu.memory_space<vmem>>, vector<16xi32>,
      %get3A_31 = arith.constant 32 : index
      %get3A_32 = tpu.vector_load %arg7[%get3A_31] {strides = array<i32>} : memref<80xi32, #tpu.memory_space<vmem>>, vector<16xi32>,
      %add3A_33 = vector.broadcast %mul3A_2 : i32 to vector<16xi32>
      %add3A_34 = arith.addi %get3A_32, %add3A_33 : vector<16xi32>
      %swap3A_35 = arith.constant 32 : index
      %swap3A_36 = tpu.vector_load %arg7[%swap3A_35] {strides = array<i32>} : memref<80xi32, #tpu.memory_space<vmem>>, vector<16xi32>,
      tpu.vector_store %arg7[%swap3A_35], %add3A_34 {strides = array<i32>} : memref<80xi32, #tpu.memory_space<vmem>>, vector<16xi32>,
      %get3A_37 = arith.constant 48 : index
      %get3A_38 = tpu.vector_load %arg7[%get3A_37] {strides = array<i32>} : memref<80xi32, #tpu.memory_space<vmem>>, vector<16xi32>,
      %add3A_39 = vector.broadcast %mul3A_2 : i32 to vector<16xi32>
      %add3A_40 = arith.addi %get3A_38, %add3A_39 : vector<16xi32>
      %swap3A_41 = arith.constant 48 : index
      %swap3A_42 = tpu.vector_load %arg7[%swap3A_41] {strides = array<i32>} : memref<80xi32, #tpu.memory_space<vmem>>, vector<16xi32>,
      tpu.vector_store %arg7[%swap3A_41], %add3A_40 {strides = array<i32>} : memref<80xi32, #tpu.memory_space<vmem>>, vector<16xi32>,
      %get3A_43 = arith.constant 64 : index
      %get3A_44 = tpu.vector_load %arg7[%get3A_43] {strides = array<i32>} : memref<80xi32, #tpu.memory_space<vmem>>, vector<16xi32>,
      %add3A_45 = vector.broadcast %mul3A_2 : i32 to vector<16xi32>
      %add3A_46 = arith.addi %get3A_44, %add3A_45 : vector<16xi32>
      %swap3A_47 = arith.constant 64 : index
      %swap3A_48 = tpu.vector_load %arg7[%swap3A_47] {strides = array<i32>} : memref<80xi32, #tpu.memory_space<vmem>>, vector<16xi32>,
      tpu.vector_store %arg7[%swap3A_47], %add3A_46 {strides = array<i32>} : memref<80xi32, #tpu.memory_space<vmem>>, vector<16xi32>,
      "tpu.region"() ({
        %run_scoped3A = tpu.sem_alloc : memref<!tpu.dma_semaphore, #tpu.memory_space<semaphore_mem>>
        %dma_start3A = arith.constant 0 : i32
        %dma_start3A_49 = arith.constant 0 : i32
        %dma_start3A_50 = tpu.memref_slice %arg2[%dma_start3A, %dma_start3A_49] : memref<20480x128xf32, #tpu.memory_space<hbm>> -> memref<20480x128xf32, #tpu.memory_space<hbm>>
        tpu.enqueue_indirect_dma source(%dma_start3A_50 : memref<20480x128xf32, #tpu.memory_space<hbm>>) target(%arg10 : memref<80x128xf32, #tpu.memory_space<vmem>>) offsets(%arg7 : memref<80xi32, #tpu.memory_space<vmem>>) semaphore(%run_scoped3A : memref<!tpu.dma_semaphore, #tpu.memory_space<semaphore_mem>>)
        %dma_wait3A = arith.constant 0 : i32
        %dma_wait3A_51 = arith.constant 0 : i32
        %dma_wait3A_52 = tpu.memref_slice %arg2[%dma_wait3A, %dma_wait3A_51] : memref<20480x128xf32, #tpu.memory_space<hbm>> -> memref<20480x128xf32, #tpu.memory_space<hbm>>
        tpu.wait_indirect_dma semaphore(%run_scoped3A : memref<!tpu.dma_semaphore, #tpu.memory_space<semaphore_mem>>) src(%dma_wait3A_52 : memref<20480x128xf32, #tpu.memory_space<hbm>>) dst(%arg10 : memref<80x128xf32, #tpu.memory_space<vmem>>)
        tpu.yield
      }) : () -> ()
      "tpu.region"() ({
        %run_scoped3A = tpu.sem_alloc : memref<!tpu.dma_semaphore, #tpu.memory_space<semaphore_mem>>
        %dma_start3A = arith.constant 0 : i32
        %dma_start3A_49 = arith.constant 0 : i32
        %dma_start3A_50 = tpu.memref_slice %arg11[%dma_start3A, %dma_start3A_49] : memref<10240x128xf32, #tpu.memory_space<vmem_shared>> -> memref<10240x128xf32, #tpu.memory_space<vmem_shared>>
        tpu.enqueue_indirect_dma source(%arg10 : memref<80x128xf32, #tpu.memory_space<vmem>>) target(%dma_start3A_50 : memref<10240x128xf32, #tpu.memory_space<vmem_shared>>) offsets(%arg8 : memref<80xi32, #tpu.memory_space<vmem>>) semaphore(%run_scoped3A : memref<!tpu.dma_semaphore, #tpu.memory_space<semaphore_mem>>) {add = true}
        %dma_wait3A = arith.constant 0 : i32
        %dma_wait3A_51 = arith.constant 0 : i32
        %dma_wait3A_52 = tpu.memref_slice %arg11[%dma_wait3A, %dma_wait3A_51] : memref<10240x128xf32, #tpu.memory_space<vmem_shared>> -> memref<10240x128xf32, #tpu.memory_space<vmem_shared>>
        tpu.wait_indirect_dma semaphore(%run_scoped3A : memref<!tpu.dma_semaphore, #tpu.memory_space<semaphore_mem>>) src(%arg10 : memref<80x128xf32, #tpu.memory_space<vmem>>) dst(%dma_wait3A_52 : memref<10240x128xf32, #tpu.memory_space<vmem_shared>>)
        tpu.yield
      }) : () -> ()
    }
    %scan3A_7 = arith.constant 125 : i32
    %barrier3A_8 = arith.constant 0 : index
    tpu.barrier barrier_id(%barrier3A_8)
    %mul3A_9 = arith.constant 640 : i32
    %mul3A_10 = arith.muli %arg1, %mul3A_9 : i32
    %mul3A_11 = arith.constant 10240 : i32
    %mul3A_12 = arith.muli %arg0, %mul3A_11 : i32
    %mul3A_13 = arith.constant 640 : i32
    %mul3A_14 = arith.muli %arg1, %mul3A_13 : i32
    %add3A = arith.addi %mul3A_12, %mul3A_14 : i32
    "tpu.region"() ({
      %run_scoped3A = tpu.sem_alloc : memref<!tpu.dma_semaphore, #tpu.memory_space<semaphore_mem>>
      %dma_start3A = arith.constant 0 : i32
      %dma_start3A_15 = tpu.memref_slice %arg6[%add3A, %dma_start3A] : memref<20480x128xf32, #tpu.memory_space<hbm>> -> memref<640x128xf32, #tpu.memory_space<hbm>>
      %dma_start3A_16 = arith.constant 0 : i32
      %dma_start3A_17 = tpu.memref_slice %arg11[%mul3A_10, %dma_start3A_16] : memref<10240x128xf32, #tpu.memory_space<vmem_shared>> -> memref<640x128xf32, #tpu.memory_space<vmem_shared>>
      tpu.enqueue_dma source(%dma_start3A_17 : memref<640x128xf32, #tpu.memory_space<vmem_shared>>) target(%dma_start3A_15 : memref<640x128xf32, #tpu.memory_space<hbm>>) target_semaphore(%run_scoped3A : memref<!tpu.dma_semaphore, #tpu.memory_space<semaphore_mem>>)
      %dma_wait3A = arith.constant 0 : i32
      %dma_wait3A_18 = tpu.memref_slice %arg6[%add3A, %dma_wait3A] : memref<20480x128xf32, #tpu.memory_space<hbm>> -> memref<640x128xf32, #tpu.memory_space<hbm>>
      %dma_wait3A_19 = arith.constant 0 : i32
      %dma_wait3A_20 = tpu.memref_slice %arg11[%mul3A_10, %dma_wait3A_19] : memref<10240x128xf32, #tpu.memory_space<vmem_shared>> -> memref<640x128xf32, #tpu.memory_space<vmem_shared>>
      tpu.wait_dma2 semaphore(%run_scoped3A : memref<!tpu.dma_semaphore, #tpu.memory_space<semaphore_mem>>) src(%dma_wait3A_20 : memref<640x128xf32, #tpu.memory_space<vmem_shared>>) dst(%dma_wait3A_18 : memref<640x128xf32, #tpu.memory_space<hbm>>)
      tpu.yield
    }) : () -> ()
    return
  }
}

#map = affine_map<(d0, d1) -> (0)>
#map1 = affine_map<(d0, d1) -> (0, 0)>
module attributes {stable_mosaic.version = 14 : i64} {
  func.func @_sc_deg(%arg0: i32, %arg1: i32, %arg2: memref<160000xi32, #tpu.memory_space<hbm>>, %arg3: memref<160000xf32, #tpu.memory_space<hbm>>, %arg4: memref<32x20480xf32, #tpu.memory_space<hbm>>, %arg5: memref<5008xi32, #tpu.memory_space<vmem>>, %arg6: memref<5008xf32, #tpu.memory_space<vmem>>, %arg7: memref<20480xf32, #tpu.memory_space<vmem>>) attributes {dimension_semantics = [#tpu.dimension_semantics<core_parallel>, #tpu.dimension_semantics<subcore_parallel>], iteration_bounds = array<i64: 2, 16>, scalar_prefetch = 0 : i64, scratch_operands = 3 : i64, tpu.core_type = #tpu.core_type<sc_vector_subcore>, window_params = [{transform_indices = #map}, {transform_indices = #map}, {transform_indices = #map1}]} {
    %mul3A = arith.constant 2 : i32
    %mul3A_0 = arith.muli %arg1, %mul3A : i32
    %add3A = arith.addi %mul3A_0, %arg0 : i32
    %iota3A = tpu.iota {dimensions = array<i32: 0>} : vector<16xi32>
    %broadcast_in_dim3A = arith.constant 0.000000e+00 : f32
    %broadcast_in_dim3A_1 = vector.broadcast %broadcast_in_dim3A : f32 to vector<16xf32>
    %broadcast_in_dim3A_2 = arith.constant 1.000000e+00 : f32
    %broadcast_in_dim3A_3 = vector.broadcast %broadcast_in_dim3A_2 : f32 to vector<16xf32>
    %scan3A = arith.constant 0 : i32
    %scan3A_4 = arith.constant 0 : i32
    %scan3A_5 = arith.constant 1280 : i32
    %scan3A_6 = arith.addi %scan3A_4, %scan3A_5 : i32
    %scan3A_7 = arith.constant 1 : i32
    scf.for %scan3A_17 = %scan3A_4 to %scan3A_6 step %scan3A_7  : i32 {
      %mul3A_18 = arith.constant 16 : i32
      %mul3A_19 = arith.muli %scan3A_17, %mul3A_18 : i32
      %swap3A = arith.index_cast %mul3A_19 : i32 to index
      %swap3A_20 = tpu.vector_load %arg7[%swap3A] {strides = array<i32>} : memref<20480xf32, #tpu.memory_space<vmem>>, vector<16xf32>,
      tpu.vector_store %arg7[%swap3A], %broadcast_in_dim3A_1 {strides = array<i32>} : memref<20480xf32, #tpu.memory_space<vmem>>, vector<16xf32>,
    }
    %scan3A_8 = arith.constant 1280 : i32
    %mul3A_9 = arith.constant 5000 : i32
    %mul3A_10 = arith.muli %add3A, %mul3A_9 : i32
    "tpu.region"() ({
      %run_scoped3A = tpu.sem_alloc : memref<!tpu.dma_semaphore, #tpu.memory_space<semaphore_mem>>
      %dma_start3A = arith.constant 0 : i32
      %dma_start3A_17 = tpu.memref_slice %arg5[%dma_start3A] : memref<5008xi32, #tpu.memory_space<vmem>> -> memref<5000xi32, #tpu.memory_space<vmem>>
      %dma_start3A_18 = tpu.memref_slice %arg2[%mul3A_10] : memref<160000xi32, #tpu.memory_space<hbm>> -> memref<5000xi32, #tpu.memory_space<hbm>>
      %dma_start3A_19 = arith.constant 0 : i32
      %dma_start3A_20 = tpu.memref_slice %arg5[%dma_start3A_19] : memref<5008xi32, #tpu.memory_space<vmem>> -> memref<5000xi32, #tpu.memory_space<vmem>>
      %dma_start3A_21 = tpu.memref_slice %arg2[%mul3A_10] : memref<160000xi32, #tpu.memory_space<hbm>> -> memref<5000xi32, #tpu.memory_space<hbm>>
      tpu.enqueue_dma source(%dma_start3A_21 : memref<5000xi32, #tpu.memory_space<hbm>>) target(%dma_start3A_20 : memref<5000xi32, #tpu.memory_space<vmem>>) target_semaphore(%run_scoped3A : memref<!tpu.dma_semaphore, #tpu.memory_space<semaphore_mem>>)
      %dma_wait3A = arith.constant 0 : i32
      %dma_wait3A_22 = tpu.memref_slice %arg5[%dma_wait3A] : memref<5008xi32, #tpu.memory_space<vmem>> -> memref<5000xi32, #tpu.memory_space<vmem>>
      %dma_wait3A_23 = tpu.memref_slice %arg2[%mul3A_10] : memref<160000xi32, #tpu.memory_space<hbm>> -> memref<5000xi32, #tpu.memory_space<hbm>>
      %dma_wait3A_24 = arith.constant 0 : i32
      %dma_wait3A_25 = tpu.memref_slice %arg5[%dma_wait3A_24] : memref<5008xi32, #tpu.memory_space<vmem>> -> memref<5000xi32, #tpu.memory_space<vmem>>
      %dma_wait3A_26 = tpu.memref_slice %arg2[%mul3A_10] : memref<160000xi32, #tpu.memory_space<hbm>> -> memref<5000xi32, #tpu.memory_space<hbm>>
      tpu.wait_dma2 semaphore(%run_scoped3A : memref<!tpu.dma_semaphore, #tpu.memory_space<semaphore_mem>>) src(%dma_wait3A_26 : memref<5000xi32, #tpu.memory_space<hbm>>) dst(%dma_wait3A_25 : memref<5000xi32, #tpu.memory_space<vmem>>)
      tpu.yield
    }) : () -> ()
    "tpu.region"() ({
      %run_scoped3A = tpu.sem_alloc : memref<!tpu.dma_semaphore, #tpu.memory_space<semaphore_mem>>
      %dma_start3A = arith.constant 0 : i32
      %dma_start3A_17 = tpu.memref_slice %arg6[%dma_start3A] : memref<5008xf32, #tpu.memory_space<vmem>> -> memref<5000xf32, #tpu.memory_space<vmem>>
      %dma_start3A_18 = tpu.memref_slice %arg3[%mul3A_10] : memref<160000xf32, #tpu.memory_space<hbm>> -> memref<5000xf32, #tpu.memory_space<hbm>>
      %dma_start3A_19 = arith.constant 0 : i32
      %dma_start3A_20 = tpu.memref_slice %arg6[%dma_start3A_19] : memref<5008xf32, #tpu.memory_space<vmem>> -> memref<5000xf32, #tpu.memory_space<vmem>>
      %dma_start3A_21 = tpu.memref_slice %arg3[%mul3A_10] : memref<160000xf32, #tpu.memory_space<hbm>> -> memref<5000xf32, #tpu.memory_space<hbm>>
      tpu.enqueue_dma source(%dma_start3A_21 : memref<5000xf32, #tpu.memory_space<hbm>>) target(%dma_start3A_20 : memref<5000xf32, #tpu.memory_space<vmem>>) target_semaphore(%run_scoped3A : memref<!tpu.dma_semaphore, #tpu.memory_space<semaphore_mem>>)
      %dma_wait3A = arith.constant 0 : i32
      %dma_wait3A_22 = tpu.memref_slice %arg6[%dma_wait3A] : memref<5008xf32, #tpu.memory_space<vmem>> -> memref<5000xf32, #tpu.memory_space<vmem>>
      %dma_wait3A_23 = tpu.memref_slice %arg3[%mul3A_10] : memref<160000xf32, #tpu.memory_space<hbm>> -> memref<5000xf32, #tpu.memory_space<hbm>>
      %dma_wait3A_24 = arith.constant 0 : i32
      %dma_wait3A_25 = tpu.memref_slice %arg6[%dma_wait3A_24] : memref<5008xf32, #tpu.memory_space<vmem>> -> memref<5000xf32, #tpu.memory_space<vmem>>
      %dma_wait3A_26 = tpu.memref_slice %arg3[%mul3A_10] : memref<160000xf32, #tpu.memory_space<hbm>> -> memref<5000xf32, #tpu.memory_space<hbm>>
      tpu.wait_dma2 semaphore(%run_scoped3A : memref<!tpu.dma_semaphore, #tpu.memory_space<semaphore_mem>>) src(%dma_wait3A_26 : memref<5000xf32, #tpu.memory_space<hbm>>) dst(%dma_wait3A_25 : memref<5000xf32, #tpu.memory_space<vmem>>)
      tpu.yield
    }) : () -> ()
    %scan3A_11 = arith.constant 0 : i32
    %scan3A_12 = arith.constant 0 : i32
    %scan3A_13 = arith.constant 313 : i32
    %scan3A_14 = arith.addi %scan3A_12, %scan3A_13 : i32
    %scan3A_15 = arith.constant 1 : i32
    scf.for %scan3A_17 = %scan3A_12 to %scan3A_14 step %scan3A_15  : i32 {
      %mul3A_18 = arith.constant 16 : i32
      %mul3A_19 = arith.muli %scan3A_17, %mul3A_18 : i32
      %get3A = arith.index_cast %mul3A_19 : i32 to index
      %get3A_20 = tpu.vector_load %arg5[%get3A] {strides = array<i32>} : memref<5008xi32, #tpu.memory_space<vmem>>, vector<16xi32>,
      %mul3A_21 = arith.constant 16 : i32
      %mul3A_22 = arith.muli %scan3A_17, %mul3A_21 : i32
      %get3A_23 = arith.index_cast %mul3A_22 : i32 to index
      %get3A_24 = tpu.vector_load %arg6[%get3A_23] {strides = array<i32>} : memref<5008xf32, #tpu.memory_space<vmem>>, vector<16xf32>,
      %mul3A_25 = arith.constant 16 : i32
      %mul3A_26 = arith.muli %scan3A_17, %mul3A_25 : i32
      %add3A_27 = vector.broadcast %mul3A_26 : i32 to vector<16xi32>
      %add3A_28 = arith.addi %add3A_27, %iota3A : vector<16xi32>
      %lt3A = arith.constant 5000 : i32
      %lt3A_29 = vector.broadcast %lt3A : i32 to vector<16xi32>
      %lt3A_30 = arith.cmpi slt, %add3A_28, %lt3A_29 : vector<16xi32>
      tpu.vector_store_idx %arg7[%get3A_20], %get3A_24 masked %lt3A_30 {add = true} : memref<20480xf32, #tpu.memory_space<vmem>>[vector<16xi32>], vector<16xf32>, vector<16xi1>
      %add3A_31 = arith.constant 10240 : i32
      %add3A_32 = vector.broadcast %add3A_31 : i32 to vector<16xi32>
      %add3A_33 = arith.addi %get3A_20, %add3A_32 : vector<16xi32>
      tpu.vector_store_idx %arg7[%add3A_33], %broadcast_in_dim3A_3 masked %lt3A_30 {add = true} : memref<20480xf32, #tpu.memory_space<vmem>>[vector<16xi32>], vector<16xf32>, vector<16xi1>
    }
    %scan3A_16 = arith.constant 313 : i32
    "tpu.region"() ({
      %run_scoped3A = tpu.sem_alloc : memref<!tpu.dma_semaphore, #tpu.memory_space<semaphore_mem>>
      %dma_start3A = arith.constant 0 : i32
      %dma_start3A_17 = tpu.memref_slice %arg4[%add3A, %dma_start3A] : memref<32x20480xf32, #tpu.memory_space<hbm>> -> memref<1x20480xf32, #tpu.memory_space<hbm>>
      %dma_start3A_18 = tpu.memref_squeeze %dma_start3A_17 : memref<1x20480xf32, #tpu.memory_space<hbm>> -> memref<20480xf32, #tpu.memory_space<hbm>>
      %dma_start3A_19 = arith.constant 0 : i32
      %dma_start3A_20 = tpu.memref_slice %arg4[%add3A, %dma_start3A_19] : memref<32x20480xf32, #tpu.memory_space<hbm>> -> memref<1x20480xf32, #tpu.memory_space<hbm>>
      %dma_start3A_21 = tpu.memref_squeeze %dma_start3A_20 : memref<1x20480xf32, #tpu.memory_space<hbm>> -> memref<20480xf32, #tpu.memory_space<hbm>>
      tpu.enqueue_dma source(%arg7 : memref<20480xf32, #tpu.memory_space<vmem>>) target(%dma_start3A_21 : memref<20480xf32, #tpu.memory_space<hbm>>) target_semaphore(%run_scoped3A : memref<!tpu.dma_semaphore, #tpu.memory_space<semaphore_mem>>)
      %dma_wait3A = arith.constant 0 : i32
      %dma_wait3A_22 = tpu.memref_slice %arg4[%add3A, %dma_wait3A] : memref<32x20480xf32, #tpu.memory_space<hbm>> -> memref<1x20480xf32, #tpu.memory_space<hbm>>
      %dma_wait3A_23 = tpu.memref_squeeze %dma_wait3A_22 : memref<1x20480xf32, #tpu.memory_space<hbm>> -> memref<20480xf32, #tpu.memory_space<hbm>>
      %dma_wait3A_24 = arith.constant 0 : i32
      %dma_wait3A_25 = tpu.memref_slice %arg4[%add3A, %dma_wait3A_24] : memref<32x20480xf32, #tpu.memory_space<hbm>> -> memref<1x20480xf32, #tpu.memory_space<hbm>>
      %dma_wait3A_26 = tpu.memref_squeeze %dma_wait3A_25 : memref<1x20480xf32, #tpu.memory_space<hbm>> -> memref<20480xf32, #tpu.memory_space<hbm>>
      tpu.wait_dma2 semaphore(%run_scoped3A : memref<!tpu.dma_semaphore, #tpu.memory_space<semaphore_mem>>) src(%arg7 : memref<20480xf32, #tpu.memory_space<vmem>>) dst(%dma_wait3A_26 : memref<20480xf32, #tpu.memory_space<hbm>>)
      tpu.yield
    }) : () -> ()
    return
  }
}

#map = affine_map<(d0, d1) -> (0, 0)>
#map1 = affine_map<(d0, d1) -> (0)>
module attributes {stable_mosaic.version = 14 : i64} {
  func.func @body(%arg0: i32, %arg1: i32, %arg2: memref<20480x128xf32, #tpu.memory_space<hbm>>, %arg3: memref<160000xi32, #tpu.memory_space<hbm>>, %arg4: memref<160000xi32, #tpu.memory_space<hbm>>, %arg5: memref<160000xf32, #tpu.memory_space<hbm>>, %arg6: memref<640x128xf32, #tpu.memory_space<hbm>>, %arg7: memref<20480x128xf32, #tpu.memory_space<hbm>>, %arg8: memref<80xi32, #tpu.memory_space<vmem>>, %arg9: memref<80xi32, #tpu.memory_space<vmem>>, %arg10: memref<80xf32, #tpu.memory_space<vmem>>, %arg11: memref<80x128xf32, #tpu.memory_space<vmem>>, %arg12: memref<10240x128xf32, #tpu.memory_space<vmem_shared>>) attributes {dimension_semantics = [#tpu.dimension_semantics<core_parallel>, #tpu.dimension_semantics<subcore_parallel>], iteration_bounds = array<i64: 2, 16>, scalar_prefetch = 0 : i64, scratch_operands = 5 : i64, tpu.core_type = #tpu.core_type<sc_vector_subcore>, window_params = [{transform_indices = #map}, {transform_indices = #map1}, {transform_indices = #map1}, {transform_indices = #map1}, {transform_indices = #map}, {transform_indices = #map}]} {
    %mul3A = arith.constant 640 : i32
    %mul3A_0 = arith.muli %arg1, %mul3A : i32
    "tpu.region"() ({
      %run_scoped3A = tpu.sem_alloc : memref<!tpu.dma_semaphore, #tpu.memory_space<semaphore_mem>>
      %dma_start3A = arith.constant 0 : i32
      %dma_start3A_15 = tpu.memref_slice %arg12[%mul3A_0, %dma_start3A] : memref<10240x128xf32, #tpu.memory_space<vmem_shared>> -> memref<640x128xf32, #tpu.memory_space<vmem_shared>>
      tpu.enqueue_dma source(%arg6 : memref<640x128xf32, #tpu.memory_space<hbm>>) target(%dma_start3A_15 : memref<640x128xf32, #tpu.memory_space<vmem_shared>>) target_semaphore(%run_scoped3A : memref<!tpu.dma_semaphore, #tpu.memory_space<semaphore_mem>>)
      %dma_wait3A = arith.constant 0 : i32
      %dma_wait3A_16 = tpu.memref_slice %arg12[%mul3A_0, %dma_wait3A] : memref<10240x128xf32, #tpu.memory_space<vmem_shared>> -> memref<640x128xf32, #tpu.memory_space<vmem_shared>>
      tpu.wait_dma2 semaphore(%run_scoped3A : memref<!tpu.dma_semaphore, #tpu.memory_space<semaphore_mem>>) src(%arg6 : memref<640x128xf32, #tpu.memory_space<hbm>>) dst(%dma_wait3A_16 : memref<640x128xf32, #tpu.memory_space<vmem_shared>>)
      tpu.yield
    }) : () -> ()
    %barrier3A = arith.constant 0 : index
    tpu.barrier barrier_id(%barrier3A)
    %mul3A_1 = arith.constant 10240 : i32
    %mul3A_2 = arith.muli %arg0, %mul3A_1 : i32
    %scan3A = arith.constant 0 : i32
    %scan3A_3 = arith.constant 0 : i32
    %scan3A_4 = arith.constant 125 : i32
    %scan3A_5 = arith.addi %scan3A_3, %scan3A_4 : i32
    %scan3A_6 = arith.constant 1 : i32
    scf.for %scan3A_15 = %scan3A_3 to %scan3A_5 step %scan3A_6  : i32 {
      %mul3A_16 = arith.constant 10000 : i32
      %mul3A_17 = arith.muli %arg1, %mul3A_16 : i32
      %mul3A_18 = arith.constant 80 : i32
      %mul3A_19 = arith.muli %scan3A_15, %mul3A_18 : i32
      %add3A_20 = arith.addi %mul3A_17, %mul3A_19 : i32
      "tpu.region"() ({
        %run_scoped3A = tpu.sem_alloc : memref<!tpu.dma_semaphore, #tpu.memory_space<semaphore_mem>>
        %dma_start3A = tpu.memref_slice %arg3[%add3A_20] : memref<160000xi32, #tpu.memory_space<hbm>> -> memref<80xi32, #tpu.memory_space<hbm>>
        %dma_start3A_55 = tpu.memref_slice %arg3[%add3A_20] : memref<160000xi32, #tpu.memory_space<hbm>> -> memref<80xi32, #tpu.memory_space<hbm>>
        tpu.enqueue_dma source(%dma_start3A_55 : memref<80xi32, #tpu.memory_space<hbm>>) target(%arg8 : memref<80xi32, #tpu.memory_space<vmem>>) target_semaphore(%run_scoped3A : memref<!tpu.dma_semaphore, #tpu.memory_space<semaphore_mem>>)
        %dma_wait3A = tpu.memref_slice %arg3[%add3A_20] : memref<160000xi32, #tpu.memory_space<hbm>> -> memref<80xi32, #tpu.memory_space<hbm>>
        %dma_wait3A_56 = tpu.memref_slice %arg3[%add3A_20] : memref<160000xi32, #tpu.memory_space<hbm>> -> memref<80xi32, #tpu.memory_space<hbm>>
        tpu.wait_dma2 semaphore(%run_scoped3A : memref<!tpu.dma_semaphore, #tpu.memory_space<semaphore_mem>>) src(%dma_wait3A_56 : memref<80xi32, #tpu.memory_space<hbm>>) dst(%arg8 : memref<80xi32, #tpu.memory_space<vmem>>)
        tpu.yield
      }) : () -> ()
      "tpu.region"() ({
        %run_scoped3A = tpu.sem_alloc : memref<!tpu.dma_semaphore, #tpu.memory_space<semaphore_mem>>
        %dma_start3A = tpu.memref_slice %arg4[%add3A_20] : memref<160000xi32, #tpu.memory_space<hbm>> -> memref<80xi32, #tpu.memory_space<hbm>>
        %dma_start3A_55 = tpu.memref_slice %arg4[%add3A_20] : memref<160000xi32, #tpu.memory_space<hbm>> -> memref<80xi32, #tpu.memory_space<hbm>>
        tpu.enqueue_dma source(%dma_start3A_55 : memref<80xi32, #tpu.memory_space<hbm>>) target(%arg9 : memref<80xi32, #tpu.memory_space<vmem>>) target_semaphore(%run_scoped3A : memref<!tpu.dma_semaphore, #tpu.memory_space<semaphore_mem>>)
        %dma_wait3A = tpu.memref_slice %arg4[%add3A_20] : memref<160000xi32, #tpu.memory_space<hbm>> -> memref<80xi32, #tpu.memory_space<hbm>>
        %dma_wait3A_56 = tpu.memref_slice %arg4[%add3A_20] : memref<160000xi32, #tpu.memory_space<hbm>> -> memref<80xi32, #tpu.memory_space<hbm>>
        tpu.wait_dma2 semaphore(%run_scoped3A : memref<!tpu.dma_semaphore, #tpu.memory_space<semaphore_mem>>) src(%dma_wait3A_56 : memref<80xi32, #tpu.memory_space<hbm>>) dst(%arg9 : memref<80xi32, #tpu.memory_space<vmem>>)
        tpu.yield
      }) : () -> ()
      "tpu.region"() ({
        %run_scoped3A = tpu.sem_alloc : memref<!tpu.dma_semaphore, #tpu.memory_space<semaphore_mem>>
        %dma_start3A = tpu.memref_slice %arg5[%add3A_20] : memref<160000xf32, #tpu.memory_space<hbm>> -> memref<80xf32, #tpu.memory_space<hbm>>
        %dma_start3A_55 = tpu.memref_slice %arg5[%add3A_20] : memref<160000xf32, #tpu.memory_space<hbm>> -> memref<80xf32, #tpu.memory_space<hbm>>
        tpu.enqueue_dma source(%dma_start3A_55 : memref<80xf32, #tpu.memory_space<hbm>>) target(%arg10 : memref<80xf32, #tpu.memory_space<vmem>>) target_semaphore(%run_scoped3A : memref<!tpu.dma_semaphore, #tpu.memory_space<semaphore_mem>>)
        %dma_wait3A = tpu.memref_slice %arg5[%add3A_20] : memref<160000xf32, #tpu.memory_space<hbm>> -> memref<80xf32, #tpu.memory_space<hbm>>
        %dma_wait3A_56 = tpu.memref_slice %arg5[%add3A_20] : memref<160000xf32, #tpu.memory_space<hbm>> -> memref<80xf32, #tpu.memory_space<hbm>>
        tpu.wait_dma2 semaphore(%run_scoped3A : memref<!tpu.dma_semaphore, #tpu.memory_space<semaphore_mem>>) src(%dma_wait3A_56 : memref<80xf32, #tpu.memory_space<hbm>>) dst(%arg10 : memref<80xf32, #tpu.memory_space<vmem>>)
        tpu.yield
      }) : () -> ()
      %get3A = arith.constant 0 : index
      %get3A_21 = tpu.vector_load %arg8[%get3A] {strides = array<i32>} : memref<80xi32, #tpu.memory_space<vmem>>, vector<16xi32>,
      %add3A_22 = vector.broadcast %mul3A_2 : i32 to vector<16xi32>
      %add3A_23 = arith.addi %get3A_21, %add3A_22 : vector<16xi32>
      %swap3A = arith.constant 0 : index
      %swap3A_24 = tpu.vector_load %arg8[%swap3A] {strides = array<i32>} : memref<80xi32, #tpu.memory_space<vmem>>, vector<16xi32>,
      tpu.vector_store %arg8[%swap3A], %add3A_23 {strides = array<i32>} : memref<80xi32, #tpu.memory_space<vmem>>, vector<16xi32>,
      %get3A_25 = arith.constant 16 : index
      %get3A_26 = tpu.vector_load %arg8[%get3A_25] {strides = array<i32>} : memref<80xi32, #tpu.memory_space<vmem>>, vector<16xi32>,
      %add3A_27 = vector.broadcast %mul3A_2 : i32 to vector<16xi32>
      %add3A_28 = arith.addi %get3A_26, %add3A_27 : vector<16xi32>
      %swap3A_29 = arith.constant 16 : index
      %swap3A_30 = tpu.vector_load %arg8[%swap3A_29] {strides = array<i32>} : memref<80xi32, #tpu.memory_space<vmem>>, vector<16xi32>,
      tpu.vector_store %arg8[%swap3A_29], %add3A_28 {strides = array<i32>} : memref<80xi32, #tpu.memory_space<vmem>>, vector<16xi32>,
      %get3A_31 = arith.constant 32 : index
      %get3A_32 = tpu.vector_load %arg8[%get3A_31] {strides = array<i32>} : memref<80xi32, #tpu.memory_space<vmem>>, vector<16xi32>,
      %add3A_33 = vector.broadcast %mul3A_2 : i32 to vector<16xi32>
      %add3A_34 = arith.addi %get3A_32, %add3A_33 : vector<16xi32>
      %swap3A_35 = arith.constant 32 : index
      %swap3A_36 = tpu.vector_load %arg8[%swap3A_35] {strides = array<i32>} : memref<80xi32, #tpu.memory_space<vmem>>, vector<16xi32>,
      tpu.vector_store %arg8[%swap3A_35], %add3A_34 {strides = array<i32>} : memref<80xi32, #tpu.memory_space<vmem>>, vector<16xi32>,
      %get3A_37 = arith.constant 48 : index
      %get3A_38 = tpu.vector_load %arg8[%get3A_37] {strides = array<i32>} : memref<80xi32, #tpu.memory_space<vmem>>, vector<16xi32>,
      %add3A_39 = vector.broadcast %mul3A_2 : i32 to vector<16xi32>
      %add3A_40 = arith.addi %get3A_38, %add3A_39 : vector<16xi32>
      %swap3A_41 = arith.constant 48 : index
      %swap3A_42 = tpu.vector_load %arg8[%swap3A_41] {strides = array<i32>} : memref<80xi32, #tpu.memory_space<vmem>>, vector<16xi32>,
      tpu.vector_store %arg8[%swap3A_41], %add3A_40 {strides = array<i32>} : memref<80xi32, #tpu.memory_space<vmem>>, vector<16xi32>,
      %get3A_43 = arith.constant 64 : index
      %get3A_44 = tpu.vector_load %arg8[%get3A_43] {strides = array<i32>} : memref<80xi32, #tpu.memory_space<vmem>>, vector<16xi32>,
      %add3A_45 = vector.broadcast %mul3A_2 : i32 to vector<16xi32>
      %add3A_46 = arith.addi %get3A_44, %add3A_45 : vector<16xi32>
      %swap3A_47 = arith.constant 64 : index
      %swap3A_48 = tpu.vector_load %arg8[%swap3A_47] {strides = array<i32>} : memref<80xi32, #tpu.memory_space<vmem>>, vector<16xi32>,
      tpu.vector_store %arg8[%swap3A_47], %add3A_46 {strides = array<i32>} : memref<80xi32, #tpu.memory_space<vmem>>, vector<16xi32>,
      "tpu.region"() ({
        %run_scoped3A = tpu.sem_alloc : memref<!tpu.dma_semaphore, #tpu.memory_space<semaphore_mem>>
        %dma_start3A = arith.constant 0 : i32
        %dma_start3A_55 = arith.constant 0 : i32
        %dma_start3A_56 = tpu.memref_slice %arg2[%dma_start3A, %dma_start3A_55] : memref<20480x128xf32, #tpu.memory_space<hbm>> -> memref<20480x128xf32, #tpu.memory_space<hbm>>
        tpu.enqueue_indirect_dma source(%dma_start3A_56 : memref<20480x128xf32, #tpu.memory_space<hbm>>) target(%arg11 : memref<80x128xf32, #tpu.memory_space<vmem>>) offsets(%arg8 : memref<80xi32, #tpu.memory_space<vmem>>) semaphore(%run_scoped3A : memref<!tpu.dma_semaphore, #tpu.memory_space<semaphore_mem>>)
        %dma_wait3A = arith.constant 0 : i32
        %dma_wait3A_57 = arith.constant 0 : i32
        %dma_wait3A_58 = tpu.memref_slice %arg2[%dma_wait3A, %dma_wait3A_57] : memref<20480x128xf32, #tpu.memory_space<hbm>> -> memref<20480x128xf32, #tpu.memory_space<hbm>>
        tpu.wait_indirect_dma semaphore(%run_scoped3A : memref<!tpu.dma_semaphore, #tpu.memory_space<semaphore_mem>>) src(%dma_wait3A_58 : memref<20480x128xf32, #tpu.memory_space<hbm>>) dst(%arg11 : memref<80x128xf32, #tpu.memory_space<vmem>>)
        tpu.yield
      }) : () -> ()
      %scan3A_49 = arith.constant 0 : i32
      %scan3A_50 = arith.constant 0 : i32
      %scan3A_51 = arith.constant 80 : i32
      %scan3A_52 = arith.addi %scan3A_50, %scan3A_51 : i32
      %scan3A_53 = arith.constant 1 : i32
      scf.for %scan3A_55 = %scan3A_50 to %scan3A_52 step %scan3A_53  : i32 {
        %broadcast_in_dim3A = vector.broadcast %scan3A_55 : i32 to vector<16xi32>
        %gather3A = tpu.vector_load_idx %arg10[%broadcast_in_dim3A] : memref<80xf32, #tpu.memory_space<vmem>>[vector<16xi32>], vector<16xf32>,
        %get3A_56 = arith.index_cast %scan3A_55 : i32 to index
        %get3A_57 = arith.constant 0 : index
        %get3A_58 = tpu.vector_load %arg11[%get3A_56, %get3A_57] {strides = array<i32>} : memref<80x128xf32, #tpu.memory_space<vmem>>, vector<16xf32>,
        %mul3A_59 = arith.mulf %get3A_58, %gather3A : vector<16xf32>
        %swap3A_60 = arith.index_cast %scan3A_55 : i32 to index
        %swap3A_61 = arith.constant 0 : index
        %swap3A_62 = tpu.vector_load %arg11[%swap3A_60, %swap3A_61] {strides = array<i32>} : memref<80x128xf32, #tpu.memory_space<vmem>>, vector<16xf32>,
        tpu.vector_store %arg11[%swap3A_60, %swap3A_61], %mul3A_59 {strides = array<i32>} : memref<80x128xf32, #tpu.memory_space<vmem>>, vector<16xf32>,
        %get3A_63 = arith.index_cast %scan3A_55 : i32 to index
        %get3A_64 = arith.constant 16 : index
        %get3A_65 = tpu.vector_load %arg11[%get3A_63, %get3A_64] {strides = array<i32>} : memref<80x128xf32, #tpu.memory_space<vmem>>, vector<16xf32>,
        %mul3A_66 = arith.mulf %get3A_65, %gather3A : vector<16xf32>
        %swap3A_67 = arith.index_cast %scan3A_55 : i32 to index
        %swap3A_68 = arith.constant 16 : index
        %swap3A_69 = tpu.vector_load %arg11[%swap3A_67, %swap3A_68] {strides = array<i32>} : memref<80x128xf32, #tpu.memory_space<vmem>>, vector<16xf32>,
        tpu.vector_store %arg11[%swap3A_67, %swap3A_68], %mul3A_66 {strides = array<i32>} : memref<80x128xf32, #tpu.memory_space<vmem>>, vector<16xf32>,
        %get3A_70 = arith.index_cast %scan3A_55 : i32 to index
        %get3A_71 = arith.constant 32 : index
        %get3A_72 = tpu.vector_load %arg11[%get3A_70, %get3A_71] {strides = array<i32>} : memref<80x128xf32, #tpu.memory_space<vmem>>, vector<16xf32>,
        %mul3A_73 = arith.mulf %get3A_72, %gather3A : vector<16xf32>
        %swap3A_74 = arith.index_cast %scan3A_55 : i32 to index
        %swap3A_75 = arith.constant 32 : index
        %swap3A_76 = tpu.vector_load %arg11[%swap3A_74, %swap3A_75] {strides = array<i32>} : memref<80x128xf32, #tpu.memory_space<vmem>>, vector<16xf32>,
        tpu.vector_store %arg11[%swap3A_74, %swap3A_75], %mul3A_73 {strides = array<i32>} : memref<80x128xf32, #tpu.memory_space<vmem>>, vector<16xf32>,
        %get3A_77 = arith.index_cast %scan3A_55 : i32 to index
        %get3A_78 = arith.constant 48 : index
        %get3A_79 = tpu.vector_load %arg11[%get3A_77, %get3A_78] {strides = array<i32>} : memref<80x128xf32, #tpu.memory_space<vmem>>, vector<16xf32>,
        %mul3A_80 = arith.mulf %get3A_79, %gather3A : vector<16xf32>
        %swap3A_81 = arith.index_cast %scan3A_55 : i32 to index
        %swap3A_82 = arith.constant 48 : index
        %swap3A_83 = tpu.vector_load %arg11[%swap3A_81, %swap3A_82] {strides = array<i32>} : memref<80x128xf32, #tpu.memory_space<vmem>>, vector<16xf32>,
        tpu.vector_store %arg11[%swap3A_81, %swap3A_82], %mul3A_80 {strides = array<i32>} : memref<80x128xf32, #tpu.memory_space<vmem>>, vector<16xf32>,
        %get3A_84 = arith.index_cast %scan3A_55 : i32 to index
        %get3A_85 = arith.constant 64 : index
        %get3A_86 = tpu.vector_load %arg11[%get3A_84, %get3A_85] {strides = array<i32>} : memref<80x128xf32, #tpu.memory_space<vmem>>, vector<16xf32>,
        %mul3A_87 = arith.mulf %get3A_86, %gather3A : vector<16xf32>
        %swap3A_88 = arith.index_cast %scan3A_55 : i32 to index
        %swap3A_89 = arith.constant 64 : index
        %swap3A_90 = tpu.vector_load %arg11[%swap3A_88, %swap3A_89] {strides = array<i32>} : memref<80x128xf32, #tpu.memory_space<vmem>>, vector<16xf32>,
        tpu.vector_store %arg11[%swap3A_88, %swap3A_89], %mul3A_87 {strides = array<i32>} : memref<80x128xf32, #tpu.memory_space<vmem>>, vector<16xf32>,
        %get3A_91 = arith.index_cast %scan3A_55 : i32 to index
        %get3A_92 = arith.constant 80 : index
        %get3A_93 = tpu.vector_load %arg11[%get3A_91, %get3A_92] {strides = array<i32>} : memref<80x128xf32, #tpu.memory_space<vmem>>, vector<16xf32>,
        %mul3A_94 = arith.mulf %get3A_93, %gather3A : vector<16xf32>
        %swap3A_95 = arith.index_cast %scan3A_55 : i32 to index
        %swap3A_96 = arith.constant 80 : index
        %swap3A_97 = tpu.vector_load %arg11[%swap3A_95, %swap3A_96] {strides = array<i32>} : memref<80x128xf32, #tpu.memory_space<vmem>>, vector<16xf32>,
        tpu.vector_store %arg11[%swap3A_95, %swap3A_96], %mul3A_94 {strides = array<i32>} : memref<80x128xf32, #tpu.memory_space<vmem>>, vector<16xf32>,
        %get3A_98 = arith.index_cast %scan3A_55 : i32 to index
        %get3A_99 = arith.constant 96 : index
        %get3A_100 = tpu.vector_load %arg11[%get3A_98, %get3A_99] {strides = array<i32>} : memref<80x128xf32, #tpu.memory_space<vmem>>, vector<16xf32>,
        %mul3A_101 = arith.mulf %get3A_100, %gather3A : vector<16xf32>
        %swap3A_102 = arith.index_cast %scan3A_55 : i32 to index
        %swap3A_103 = arith.constant 96 : index
        %swap3A_104 = tpu.vector_load %arg11[%swap3A_102, %swap3A_103] {strides = array<i32>} : memref<80x128xf32, #tpu.memory_space<vmem>>, vector<16xf32>,
        tpu.vector_store %arg11[%swap3A_102, %swap3A_103], %mul3A_101 {strides = array<i32>} : memref<80x128xf32, #tpu.memory_space<vmem>>, vector<16xf32>,
        %get3A_105 = arith.index_cast %scan3A_55 : i32 to index
        %get3A_106 = arith.constant 112 : index
        %get3A_107 = tpu.vector_load %arg11[%get3A_105, %get3A_106] {strides = array<i32>} : memref<80x128xf32, #tpu.memory_space<vmem>>, vector<16xf32>,
        %mul3A_108 = arith.mulf %get3A_107, %gather3A : vector<16xf32>
        %swap3A_109 = arith.index_cast %scan3A_55 : i32 to index
        %swap3A_110 = arith.constant 112 : index
        %swap3A_111 = tpu.vector_load %arg11[%swap3A_109, %swap3A_110] {strides = array<i32>} : memref<80x128xf32, #tpu.memory_space<vmem>>, vector<16xf32>,
        tpu.vector_store %arg11[%swap3A_109, %swap3A_110], %mul3A_108 {strides = array<i32>} : memref<80x128xf32, #tpu.memory_space<vmem>>, vector<16xf32>,
      }
      %scan3A_54 = arith.constant 80 : i32
      "tpu.region"() ({
        %run_scoped3A = tpu.sem_alloc : memref<!tpu.dma_semaphore, #tpu.memory_space<semaphore_mem>>
        %dma_start3A = arith.constant 0 : i32
        %dma_start3A_55 = arith.constant 0 : i32
        %dma_start3A_56 = tpu.memref_slice %arg12[%dma_start3A, %dma_start3A_55] : memref<10240x128xf32, #tpu.memory_space<vmem_shared>> -> memref<10240x128xf32, #tpu.memory_space<vmem_shared>>
        tpu.enqueue_indirect_dma source(%arg11 : memref<80x128xf32, #tpu.memory_space<vmem>>) target(%dma_start3A_56 : memref<10240x128xf32, #tpu.memory_space<vmem_shared>>) offsets(%arg9 : memref<80xi32, #tpu.memory_space<vmem>>) semaphore(%run_scoped3A : memref<!tpu.dma_semaphore, #tpu.memory_space<semaphore_mem>>) {add = true}
        %dma_wait3A = arith.constant 0 : i32
        %dma_wait3A_57 = arith.constant 0 : i32
        %dma_wait3A_58 = tpu.memref_slice %arg12[%dma_wait3A, %dma_wait3A_57] : memref<10240x128xf32, #tpu.memory_space<vmem_shared>> -> memref<10240x128xf32, #tpu.memory_space<vmem_shared>>
        tpu.wait_indirect_dma semaphore(%run_scoped3A : memref<!tpu.dma_semaphore, #tpu.memory_space<semaphore_mem>>) src(%arg11 : memref<80x128xf32, #tpu.memory_space<vmem>>) dst(%dma_wait3A_58 : memref<10240x128xf32, #tpu.memory_space<vmem_shared>>)
        tpu.yield
      }) : () -> ()
    }
    %scan3A_7 = arith.constant 125 : i32
    %barrier3A_8 = arith.constant 0 : index
    tpu.barrier barrier_id(%barrier3A_8)
    %mul3A_9 = arith.constant 640 : i32
    %mul3A_10 = arith.muli %arg1, %mul3A_9 : i32
    %mul3A_11 = arith.constant 10240 : i32
    %mul3A_12 = arith.muli %arg0, %mul3A_11 : i32
    %mul3A_13 = arith.constant 640 : i32
    %mul3A_14 = arith.muli %arg1, %mul3A_13 : i32
    %add3A = arith.addi %mul3A_12, %mul3A_14 : i32
    "tpu.region"() ({
      %run_scoped3A = tpu.sem_alloc : memref<!tpu.dma_semaphore, #tpu.memory_space<semaphore_mem>>
      %dma_start3A = arith.constant 0 : i32
      %dma_start3A_15 = tpu.memref_slice %arg7[%add3A, %dma_start3A] : memref<20480x128xf32, #tpu.memory_space<hbm>> -> memref<640x128xf32, #tpu.memory_space<hbm>>
      %dma_start3A_16 = arith.constant 0 : i32
      %dma_start3A_17 = tpu.memref_slice %arg12[%mul3A_10, %dma_start3A_16] : memref<10240x128xf32, #tpu.memory_space<vmem_shared>> -> memref<640x128xf32, #tpu.memory_space<vmem_shared>>
      tpu.enqueue_dma source(%dma_start3A_17 : memref<640x128xf32, #tpu.memory_space<vmem_shared>>) target(%dma_start3A_15 : memref<640x128xf32, #tpu.memory_space<hbm>>) target_semaphore(%run_scoped3A : memref<!tpu.dma_semaphore, #tpu.memory_space<semaphore_mem>>)
      %dma_wait3A = arith.constant 0 : i32
      %dma_wait3A_18 = tpu.memref_slice %arg7[%add3A, %dma_wait3A] : memref<20480x128xf32, #tpu.memory_space<hbm>> -> memref<640x128xf32, #tpu.memory_space<hbm>>
      %dma_wait3A_19 = arith.constant 0 : i32
      %dma_wait3A_20 = tpu.memref_slice %arg12[%mul3A_10, %dma_wait3A_19] : memref<10240x128xf32, #tpu.memory_space<vmem_shared>> -> memref<640x128xf32, #tpu.memory_space<vmem_shared>>
      tpu.wait_dma2 semaphore(%run_scoped3A : memref<!tpu.dma_semaphore, #tpu.memory_space<semaphore_mem>>) src(%dma_wait3A_20 : memref<640x128xf32, #tpu.memory_space<vmem_shared>>) dst(%dma_wait3A_18 : memref<640x128xf32, #tpu.memory_space<hbm>>)
      tpu.yield
    }) : () -> ()
    return
  }
}

module attributes {stable_mosaic.version = 14 : i64} {
  func.func @body(%arg0: i32, %arg1: memref<32x40x128xf32, #tpu.memory_space<vmem>>, %arg2: memref<40x128xf32, #tpu.memory_space<vmem>>) attributes {dimension_semantics = [#tpu.dimension_semantics<arbitrary>], iteration_bounds = array<i64: 4>, scalar_prefetch = 0 : i64, scratch_operands = 0 : i64, tpu.core_type = #tpu.core_type<tc>, window_params = [{transform_indices = @transform_0, window_bounds = array<i64: 32, 40, 128>}, {transform_indices = @transform_1, window_bounds = array<i64: 40, 128>}]} {
    %get3A = arith.constant 0 : index
    %get3A_0 = arith.constant 0 : index
    %get3A_1 = arith.constant 0 : index
    %get3A_2 = vector.load %arg1[%get3A, %get3A_0, %get3A_1] : memref<32x40x128xf32, #tpu.memory_space<vmem>>, vector<32x40x128xf32>
    %reduce_sum3A = arith.constant dense<0.000000e+00> : vector<40x128xf32>
    %reduce_sum3A_3 = vector.multi_reduction <add>, %get3A_2, %reduce_sum3A [0] : vector<32x40x128xf32> to vector<40x128xf32>
    %swap3A = arith.constant 0 : index
    %swap3A_4 = arith.constant 0 : index
    %swap3A_5 = vector.load %arg2[%swap3A, %swap3A_4] : memref<40x128xf32, #tpu.memory_space<vmem>>, vector<40x128xf32>
    tpu.vector_store %arg2[%swap3A, %swap3A_4], %reduce_sum3A_3 {strides = array<i32>} : memref<40x128xf32, #tpu.memory_space<vmem>>, vector<40x128xf32>,
    return
  }
  func.func @transform_0(%arg0: i32) -> (i32, i32, i32) {
    %c0_i32 = arith.constant 0 : i32
    %c0_i32_0 = arith.constant 0 : i32
    %c0_i32_1 = arith.constant 0 : i32
    return %c0_i32, %arg0, %c0_i32_0 : i32, i32, i32
  }
  func.func @transform_1(%arg0: i32) -> (i32, i32) {
    %c0_i32 = arith.constant 0 : i32
    %c0_i32_0 = arith.constant 0 : i32
    return %arg0, %c0_i32 : i32, i32
  }
}

module attributes {stable_mosaic.version = 14 : i64} {
  func.func @body(%arg0: i32, %arg1: memref<400x256xf32, #tpu.memory_space<vmem>>, %arg2: memref<256x256xf32, #tpu.memory_space<vmem>>, %arg3: memref<2x400x1xf32, #tpu.memory_space<vmem>>, %arg4: memref<2x400x128xf32, #tpu.memory_space<vmem>>) attributes {dimension_semantics = [#tpu.dimension_semantics<arbitrary>], iteration_bounds = array<i64: 25>, scalar_prefetch = 0 : i64, scratch_operands = 0 : i64, tpu.core_type = #tpu.core_type<tc>, window_params = [{transform_indices = @transform_0, window_bounds = array<i64: 400, 256>}, {pipeline_mode = #tpu.pipeline_mode<synchronous>, transform_indices = @transform_1, window_bounds = array<i64: 256, 256>}, {transform_indices = @transform_2, window_bounds = array<i64: 2, 400, 1>}, {transform_indices = @transform_3, window_bounds = array<i64: 2, 400, 128>}]} {
    %get3A = arith.constant 0 : index
    %get3A_0 = arith.constant 0 : index
    %get3A_1 = vector.load %arg1[%get3A, %get3A_0] : memref<400x256xf32, #tpu.memory_space<vmem>>, vector<400x256xf32>
    %get3A_2 = arith.constant 0 : index
    %get3A_3 = arith.constant 0 : index
    %get3A_4 = vector.load %arg2[%get3A_2, %get3A_3] : memref<256x256xf32, #tpu.memory_space<vmem>>, vector<256x256xf32>
    %dot_general3A = arith.constant dense<0.000000e+00> : vector<400x256xf32>
    %dot_general3A_5 = tpu.matmul %get3A_1, %get3A_4, %dot_general3A {dimension_numbers = #tpu.dot_dimension_numbers<[1], [0], [0], [1], [0, 0, 1, 1], [], []>, transpose_lhs_hint = false} : vector<400x256xf32>, vector<256x256xf32>, vector<400x256xf32> -> vector<400x256xf32>
    %get3A_6 = arith.constant 0 : index
    %get3A_7 = arith.constant 0 : index
    %get3A_8 = arith.constant 0 : index
    %get3A_9 = vector.load %arg3[%get3A_6, %get3A_7, %get3A_8] : memref<2x400x1xf32, #tpu.memory_space<vmem>>, vector<2x400x1xf32>
    %slice3A = vector.extract_strided_slice %get3A_9 {offsets = [0, 0, 0], sizes = [1, 400, 1], strides = [1, 1, 1]} : vector<2x400x1xf32> to vector<1x400x1xf32>
    %squeeze3A = vector.shape_cast %slice3A : vector<1x400x1xf32> to vector<400x1xf32>
    %add3A = arith.constant 1.000000e+00 : f32
    %add3A_10 = vector.broadcast %add3A : f32 to vector<400x1xf32>
    %add3A_11 = arith.addf %add3A_10, %squeeze3A : vector<400x1xf32>
    %rsqrt3A = math.rsqrt %add3A_11 : vector<400x1xf32>
    %mul3A = vector.broadcast %rsqrt3A : vector<400x1xf32> to vector<400x256xf32>
    %mul3A_12 = arith.mulf %dot_general3A_5, %mul3A : vector<400x256xf32>
    %slice3A_13 = vector.extract_strided_slice %mul3A_12 {offsets = [0, 0], sizes = [400, 128], strides = [1, 1]} : vector<400x256xf32> to vector<400x128xf32>
    %swap3A = arith.constant 0 : index
    %swap3A_14 = arith.constant 0 : index
    %swap3A_15 = arith.constant 0 : index
    %swap3A_16 = vector.load %arg4[%swap3A, %swap3A_14, %swap3A_15] : memref<2x400x128xf32, #tpu.memory_space<vmem>>, vector<1x400x128xf32>
    %swap3A_17 = vector.shape_cast %swap3A_16 : vector<1x400x128xf32> to vector<400x128xf32>
    %swap3A_18 = vector.shape_cast %slice3A_13 : vector<400x128xf32> to vector<1x400x128xf32>
    tpu.vector_store %arg4[%swap3A, %swap3A_14, %swap3A_15], %swap3A_18 {strides = array<i32>} : memref<2x400x128xf32, #tpu.memory_space<vmem>>, vector<1x400x128xf32>,
    %slice3A_19 = vector.extract_strided_slice %mul3A_12 {offsets = [0, 128], sizes = [400, 128], strides = [1, 1]} : vector<400x256xf32> to vector<400x128xf32>
    %swap3A_20 = arith.constant 1 : index
    %swap3A_21 = arith.constant 0 : index
    %swap3A_22 = arith.constant 0 : index
    %swap3A_23 = vector.load %arg4[%swap3A_20, %swap3A_21, %swap3A_22] : memref<2x400x128xf32, #tpu.memory_space<vmem>>, vector<1x400x128xf32>
    %swap3A_24 = vector.shape_cast %swap3A_23 : vector<1x400x128xf32> to vector<400x128xf32>
    %swap3A_25 = vector.shape_cast %slice3A_19 : vector<400x128xf32> to vector<1x400x128xf32>
    tpu.vector_store %arg4[%swap3A_20, %swap3A_21, %swap3A_22], %swap3A_25 {strides = array<i32>} : memref<2x400x128xf32, #tpu.memory_space<vmem>>, vector<1x400x128xf32>,
    return
  }
  func.func @transform_0(%arg0: i32) -> (i32, i32) {
    %c0_i32 = arith.constant 0 : i32
    %c0_i32_0 = arith.constant 0 : i32
    return %arg0, %c0_i32 : i32, i32
  }
  func.func @transform_1(%arg0: i32) -> (i32, i32) {
    %c0_i32 = arith.constant 0 : i32
    %c0_i32_0 = arith.constant 0 : i32
    %c0_i32_1 = arith.constant 0 : i32
    return %c0_i32, %c0_i32_0 : i32, i32
  }
  func.func @transform_2(%arg0: i32) -> (i32, i32, i32) {
    %c0_i32 = arith.constant 0 : i32
    %c0_i32_0 = arith.constant 0 : i32
    %c0_i32_1 = arith.constant 0 : i32
    return %c0_i32, %arg0, %c0_i32_0 : i32, i32, i32
  }
  func.func @transform_3(%arg0: i32) -> (i32, i32, i32) {
    %c0_i32 = arith.constant 0 : i32
    %c0_i32_0 = arith.constant 0 : i32
    %c0_i32_1 = arith.constant 0 : i32
    return %c0_i32, %arg0, %c0_i32_0 : i32, i32, i32
  }
}

module attributes {stable_mosaic.version = 14 : i64} {
  func.func @body(%arg0: i32, %arg1: memref<2x400x128xf32, #tpu.memory_space<vmem>>, %arg2: memref<2x400x128xf32, #tpu.memory_space<vmem>>, %arg3: memref<2x400x1xf32, #tpu.memory_space<vmem>>, %arg4: memref<256x256xf32, #tpu.memory_space<vmem>>, %arg5: memref<1x256xf32, #tpu.memory_space<vmem>>, %arg6: memref<1x256xf32, #tpu.memory_space<vmem>>, %arg7: memref<1x256xf32, #tpu.memory_space<vmem>>, %arg8: memref<1x256xf32, #tpu.memory_space<vmem>>, %arg9: memref<2x400x128xf32, #tpu.memory_space<vmem>>) attributes {dimension_semantics = [#tpu.dimension_semantics<arbitrary>], iteration_bounds = array<i64: 25>, scalar_prefetch = 0 : i64, scratch_operands = 0 : i64, tpu.core_type = #tpu.core_type<tc>, window_params = [{transform_indices = @transform_0, window_bounds = array<i64: 2, 400, 128>}, {transform_indices = @transform_1, window_bounds = array<i64: 2, 400, 128>}, {transform_indices = @transform_2, window_bounds = array<i64: 2, 400, 1>}, {pipeline_mode = #tpu.pipeline_mode<synchronous>, transform_indices = @transform_3, window_bounds = array<i64: 256, 256>}, {pipeline_mode = #tpu.pipeline_mode<synchronous>, transform_indices = @transform_4, window_bounds = array<i64: 1, 256>}, {pipeline_mode = #tpu.pipeline_mode<synchronous>, transform_indices = @transform_5, window_bounds = array<i64: 1, 256>}, {pipeline_mode = #tpu.pipeline_mode<synchronous>, transform_indices = @transform_6, window_bounds = array<i64: 1, 256>}, {pipeline_mode = #tpu.pipeline_mode<synchronous>, transform_indices = @transform_7, window_bounds = array<i64: 1, 256>}, {transform_indices = @transform_8, window_bounds = array<i64: 2, 400, 128>}]} {
    %get3A = arith.constant 0 : index
    %get3A_0 = arith.constant 0 : index
    %get3A_1 = arith.constant 0 : index
    %get3A_2 = vector.load %arg1[%get3A, %get3A_0, %get3A_1] : memref<2x400x128xf32, #tpu.memory_space<vmem>>, vector<2x400x128xf32>
    %get3A_3 = arith.constant 0 : index
    %get3A_4 = arith.constant 0 : index
    %get3A_5 = arith.constant 0 : index
    %get3A_6 = vector.load %arg2[%get3A_3, %get3A_4, %get3A_5] : memref<2x400x128xf32, #tpu.memory_space<vmem>>, vector<2x400x128xf32>
    %add3A = arith.addf %get3A_2, %get3A_6 : vector<2x400x128xf32>
    %get3A_7 = arith.constant 0 : index
    %get3A_8 = arith.constant 0 : index
    %get3A_9 = arith.constant 0 : index
    %get3A_10 = vector.load %arg3[%get3A_7, %get3A_8, %get3A_9] : memref<2x400x1xf32, #tpu.memory_space<vmem>>, vector<2x400x1xf32>
    %slice3A = vector.extract_strided_slice %get3A_10 {offsets = [0, 0, 0], sizes = [1, 400, 1], strides = [1, 1, 1]} : vector<2x400x1xf32> to vector<1x400x1xf32>
    %squeeze3A = vector.shape_cast %slice3A : vector<1x400x1xf32> to vector<400x1xf32>
    %add3A_11 = arith.constant 1.000000e+00 : f32
    %add3A_12 = vector.broadcast %add3A_11 : f32 to vector<400x1xf32>
    %add3A_13 = arith.addf %add3A_12, %squeeze3A : vector<400x1xf32>
    %rsqrt3A = math.rsqrt %add3A_13 : vector<400x1xf32>
    %slice3A_14 = vector.extract_strided_slice %get3A_10 {offsets = [1, 0, 0], sizes = [1, 400, 1], strides = [1, 1, 1]} : vector<2x400x1xf32> to vector<1x400x1xf32>
    %squeeze3A_15 = vector.shape_cast %slice3A_14 : vector<1x400x1xf32> to vector<400x1xf32>
    %add3A_16 = arith.constant 1.000000e+00 : f32
    %add3A_17 = vector.broadcast %add3A_16 : f32 to vector<400x1xf32>
    %add3A_18 = arith.addf %add3A_17, %squeeze3A_15 : vector<400x1xf32>
    %rsqrt3A_19 = math.rsqrt %add3A_18 : vector<400x1xf32>
    %slice3A_20 = vector.extract_strided_slice %add3A {offsets = [0, 0, 0], sizes = [1, 400, 128], strides = [1, 1, 1]} : vector<2x400x128xf32> to vector<1x400x128xf32>
    %squeeze3A_21 = vector.shape_cast %slice3A_20 : vector<1x400x128xf32> to vector<400x128xf32>
    %slice3A_22 = vector.extract_strided_slice %add3A {offsets = [1, 0, 0], sizes = [1, 400, 128], strides = [1, 1, 1]} : vector<2x400x128xf32> to vector<1x400x128xf32>
    %squeeze3A_23 = vector.shape_cast %slice3A_22 : vector<1x400x128xf32> to vector<400x128xf32>
    %concatenate3A = tpu.concatenate %squeeze3A_21, %squeeze3A_23 in 1 : vector<400x128xf32>, vector<400x128xf32> -> vector<400x256xf32>
    %mul3A = vector.broadcast %rsqrt3A : vector<400x1xf32> to vector<400x256xf32>
    %mul3A_24 = arith.mulf %concatenate3A, %mul3A : vector<400x256xf32>
    %get3A_25 = arith.constant 0 : index
    %get3A_26 = arith.constant 0 : index
    %get3A_27 = vector.load %arg5[%get3A_25, %get3A_26] : memref<1x256xf32, #tpu.memory_space<vmem>>, vector<1x256xf32>
    %add3A_28 = vector.broadcast %get3A_27 : vector<1x256xf32> to vector<400x256xf32>
    %add3A_29 = arith.addf %mul3A_24, %add3A_28 : vector<400x256xf32>
    %max3A = arith.constant 0.000000e+00 : f32
    %max3A_30 = vector.broadcast %max3A : f32 to vector<400x256xf32>
    %max3A_31 = arith.maximumf %add3A_29, %max3A_30 : vector<400x256xf32>
    %reduce_sum3A = arith.constant dense<0.000000e+00> : vector<400xf32>
    %reduce_sum3A_32 = vector.multi_reduction <add>, %max3A_31, %reduce_sum3A [1] : vector<400x256xf32> to vector<400xf32>
    %broadcast_in_dim3A = vector.shape_cast %reduce_sum3A_32 : vector<400xf32> to vector<400x1xf32>
    %div3A = arith.constant 2.560000e+02 : f32
    %div3A_33 = vector.broadcast %div3A : f32 to vector<400x1xf32>
    %div3A_34 = arith.divf %broadcast_in_dim3A, %div3A_33 : vector<400x1xf32>
    %sub3A = vector.broadcast %div3A_34 : vector<400x1xf32> to vector<400x256xf32>
    %sub3A_35 = arith.subf %max3A_31, %sub3A : vector<400x256xf32>
    %mul3A_36 = arith.mulf %sub3A_35, %sub3A_35 : vector<400x256xf32>
    %reduce_sum3A_37 = arith.constant dense<0.000000e+00> : vector<400xf32>
    %reduce_sum3A_38 = vector.multi_reduction <add>, %mul3A_36, %reduce_sum3A_37 [1] : vector<400x256xf32> to vector<400xf32>
    %broadcast_in_dim3A_39 = vector.shape_cast %reduce_sum3A_38 : vector<400xf32> to vector<400x1xf32>
    %div3A_40 = arith.constant 2.560000e+02 : f32
    %div3A_41 = vector.broadcast %div3A_40 : f32 to vector<400x1xf32>
    %div3A_42 = arith.divf %broadcast_in_dim3A_39, %div3A_41 : vector<400x1xf32>
    %add3A_43 = arith.constant 9.99999974E-6 : f32
    %add3A_44 = vector.broadcast %add3A_43 : f32 to vector<400x1xf32>
    %add3A_45 = arith.addf %div3A_42, %add3A_44 : vector<400x1xf32>
    %rsqrt3A_46 = math.rsqrt %add3A_45 : vector<400x1xf32>
    %mul3A_47 = vector.broadcast %rsqrt3A_46 : vector<400x1xf32> to vector<400x256xf32>
    %mul3A_48 = arith.mulf %sub3A_35, %mul3A_47 : vector<400x256xf32>
    %get3A_49 = arith.constant 0 : index
    %get3A_50 = arith.constant 0 : index
    %get3A_51 = vector.load %arg7[%get3A_49, %get3A_50] : memref<1x256xf32, #tpu.memory_space<vmem>>, vector<1x256xf32>
    %mul3A_52 = vector.broadcast %get3A_51 : vector<1x256xf32> to vector<400x256xf32>
    %mul3A_53 = arith.mulf %mul3A_48, %mul3A_52 : vector<400x256xf32>
    %get3A_54 = arith.constant 0 : index
    %get3A_55 = arith.constant 0 : index
    %get3A_56 = vector.load %arg8[%get3A_54, %get3A_55] : memref<1x256xf32, #tpu.memory_space<vmem>>, vector<1x256xf32>
    %add3A_57 = vector.broadcast %get3A_56 : vector<1x256xf32> to vector<400x256xf32>
    %add3A_58 = arith.addf %mul3A_53, %add3A_57 : vector<400x256xf32>
    %get3A_59 = arith.constant 0 : index
    %get3A_60 = arith.constant 0 : index
    %get3A_61 = vector.load %arg4[%get3A_59, %get3A_60] : memref<256x256xf32, #tpu.memory_space<vmem>>, vector<256x256xf32>
    %dot_general3A = arith.constant dense<0.000000e+00> : vector<400x256xf32>
    %dot_general3A_62 = tpu.matmul %add3A_58, %get3A_61, %dot_general3A {dimension_numbers = #tpu.dot_dimension_numbers<[1], [0], [0], [1], [0, 0, 1, 1], [], []>, transpose_lhs_hint = false} : vector<400x256xf32>, vector<256x256xf32>, vector<400x256xf32> -> vector<400x256xf32>
    %get3A_63 = arith.constant 0 : index
    %get3A_64 = arith.constant 0 : index
    %get3A_65 = vector.load %arg6[%get3A_63, %get3A_64] : memref<1x256xf32, #tpu.memory_space<vmem>>, vector<1x256xf32>
    %add3A_66 = vector.broadcast %get3A_65 : vector<1x256xf32> to vector<400x256xf32>
    %add3A_67 = arith.addf %dot_general3A_62, %add3A_66 : vector<400x256xf32>
    %mul3A_68 = vector.broadcast %rsqrt3A_19 : vector<400x1xf32> to vector<400x256xf32>
    %mul3A_69 = arith.mulf %add3A_67, %mul3A_68 : vector<400x256xf32>
    %slice3A_70 = vector.extract_strided_slice %mul3A_69 {offsets = [0, 0], sizes = [400, 128], strides = [1, 1]} : vector<400x256xf32> to vector<400x128xf32>
    %swap3A = arith.constant 0 : index
    %swap3A_71 = arith.constant 0 : index
    %swap3A_72 = arith.constant 0 : index
    %swap3A_73 = vector.load %arg9[%swap3A, %swap3A_71, %swap3A_72] : memref<2x400x128xf32, #tpu.memory_space<vmem>>, vector<1x400x128xf32>
    %swap3A_74 = vector.shape_cast %swap3A_73 : vector<1x400x128xf32> to vector<400x128xf32>
    %swap3A_75 = vector.shape_cast %slice3A_70 : vector<400x128xf32> to vector<1x400x128xf32>
    tpu.vector_store %arg9[%swap3A, %swap3A_71, %swap3A_72], %swap3A_75 {strides = array<i32>} : memref<2x400x128xf32, #tpu.memory_space<vmem>>, vector<1x400x128xf32>,
    %slice3A_76 = vector.extract_strided_slice %mul3A_69 {offsets = [0, 128], sizes = [400, 128], strides = [1, 1]} : vector<400x256xf32> to vector<400x128xf32>
    %swap3A_77 = arith.constant 1 : index
    %swap3A_78 = arith.constant 0 : index
    %swap3A_79 = arith.constant 0 : index
    %swap3A_80 = vector.load %arg9[%swap3A_77, %swap3A_78, %swap3A_79] : memref<2x400x128xf32, #tpu.memory_space<vmem>>, vector<1x400x128xf32>
    %swap3A_81 = vector.shape_cast %swap3A_80 : vector<1x400x128xf32> to vector<400x128xf32>
    %swap3A_82 = vector.shape_cast %slice3A_76 : vector<400x128xf32> to vector<1x400x128xf32>
    tpu.vector_store %arg9[%swap3A_77, %swap3A_78, %swap3A_79], %swap3A_82 {strides = array<i32>} : memref<2x400x128xf32, #tpu.memory_space<vmem>>, vector<1x400x128xf32>,
    return
  }
  func.func @transform_0(%arg0: i32) -> (i32, i32, i32) {
    %c0_i32 = arith.constant 0 : i32
    %c0_i32_0 = arith.constant 0 : i32
    %c0_i32_1 = arith.constant 0 : i32
    return %c0_i32, %arg0, %c0_i32_0 : i32, i32, i32
  }
  func.func @transform_1(%arg0: i32) -> (i32, i32, i32) {
    %c0_i32 = arith.constant 0 : i32
    %c0_i32_0 = arith.constant 0 : i32
    %c0_i32_1 = arith.constant 0 : i32
    return %c0_i32, %arg0, %c0_i32_0 : i32, i32, i32
  }
  func.func @transform_2(%arg0: i32) -> (i32, i32, i32) {
    %c0_i32 = arith.constant 0 : i32
    %c0_i32_0 = arith.constant 0 : i32
    %c0_i32_1 = arith.constant 0 : i32
    return %c0_i32, %arg0, %c0_i32_0 : i32, i32, i32
  }
  func.func @transform_3(%arg0: i32) -> (i32, i32) {
    %c0_i32 = arith.constant 0 : i32
    %c0_i32_0 = arith.constant 0 : i32
    %c0_i32_1 = arith.constant 0 : i32
    return %c0_i32, %c0_i32_0 : i32, i32
  }
  func.func @transform_4(%arg0: i32) -> (i32, i32) {
    %c0_i32 = arith.constant 0 : i32
    %c0_i32_0 = arith.constant 0 : i32
    %c0_i32_1 = arith.constant 0 : i32
    return %c0_i32, %c0_i32_0 : i32, i32
  }
  func.func @transform_5(%arg0: i32) -> (i32, i32) {
    %c0_i32 = arith.constant 0 : i32
    %c0_i32_0 = arith.constant 0 : i32
    %c0_i32_1 = arith.constant 0 : i32
    return %c0_i32, %c0_i32_0 : i32, i32
  }
  func.func @transform_6(%arg0: i32) -> (i32, i32) {
    %c0_i32 = arith.constant 0 : i32
    %c0_i32_0 = arith.constant 0 : i32
    %c0_i32_1 = arith.constant 0 : i32
    return %c0_i32, %c0_i32_0 : i32, i32
  }
  func.func @transform_7(%arg0: i32) -> (i32, i32) {
    %c0_i32 = arith.constant 0 : i32
    %c0_i32_0 = arith.constant 0 : i32
    %c0_i32_1 = arith.constant 0 : i32
    return %c0_i32, %c0_i32_0 : i32, i32
  }
  func.func @transform_8(%arg0: i32) -> (i32, i32, i32) {
    %c0_i32 = arith.constant 0 : i32
    %c0_i32_0 = arith.constant 0 : i32
    %c0_i32_1 = arith.constant 0 : i32
    return %c0_i32, %arg0, %c0_i32_0 : i32, i32, i32
  }
}

module attributes {stable_mosaic.version = 14 : i64} {
  func.func @body(%arg0: i32, %arg1: memref<2x400x128xf32, #tpu.memory_space<vmem>>, %arg2: memref<2x400x128xf32, #tpu.memory_space<vmem>>, %arg3: memref<2x400x1xf32, #tpu.memory_space<vmem>>, %arg4: memref<256x128xf32, #tpu.memory_space<vmem>>, %arg5: memref<1x128xf32, #tpu.memory_space<vmem>>, %arg6: memref<400x128xf32, #tpu.memory_space<vmem>>) attributes {dimension_semantics = [#tpu.dimension_semantics<arbitrary>], iteration_bounds = array<i64: 25>, scalar_prefetch = 0 : i64, scratch_operands = 0 : i64, tpu.core_type = #tpu.core_type<tc>, window_params = [{transform_indices = @transform_0, window_bounds = array<i64: 2, 400, 128>}, {transform_indices = @transform_1, window_bounds = array<i64: 2, 400, 128>}, {transform_indices = @transform_2, window_bounds = array<i64: 2, 400, 1>}, {pipeline_mode = #tpu.pipeline_mode<synchronous>, transform_indices = @transform_3, window_bounds = array<i64: 256, 128>}, {pipeline_mode = #tpu.pipeline_mode<synchronous>, transform_indices = @transform_4, window_bounds = array<i64: 1, 128>}, {transform_indices = @transform_5, window_bounds = array<i64: 400, 128>}]} {
    %get3A = arith.constant 0 : index
    %get3A_0 = arith.constant 0 : index
    %get3A_1 = arith.constant 0 : index
    %get3A_2 = vector.load %arg1[%get3A, %get3A_0, %get3A_1] : memref<2x400x128xf32, #tpu.memory_space<vmem>>, vector<2x400x128xf32>
    %get3A_3 = arith.constant 0 : index
    %get3A_4 = arith.constant 0 : index
    %get3A_5 = arith.constant 0 : index
    %get3A_6 = vector.load %arg2[%get3A_3, %get3A_4, %get3A_5] : memref<2x400x128xf32, #tpu.memory_space<vmem>>, vector<2x400x128xf32>
    %add3A = arith.addf %get3A_2, %get3A_6 : vector<2x400x128xf32>
    %get3A_7 = arith.constant 0 : index
    %get3A_8 = arith.constant 0 : index
    %get3A_9 = arith.constant 0 : index
    %get3A_10 = vector.load %arg3[%get3A_7, %get3A_8, %get3A_9] : memref<2x400x1xf32, #tpu.memory_space<vmem>>, vector<2x400x1xf32>
    %slice3A = vector.extract_strided_slice %get3A_10 {offsets = [1, 0, 0], sizes = [1, 400, 1], strides = [1, 1, 1]} : vector<2x400x1xf32> to vector<1x400x1xf32>
    %squeeze3A = vector.shape_cast %slice3A : vector<1x400x1xf32> to vector<400x1xf32>
    %add3A_11 = arith.constant 1.000000e+00 : f32
    %add3A_12 = vector.broadcast %add3A_11 : f32 to vector<400x1xf32>
    %add3A_13 = arith.addf %add3A_12, %squeeze3A : vector<400x1xf32>
    %rsqrt3A = math.rsqrt %add3A_13 : vector<400x1xf32>
    %slice3A_14 = vector.extract_strided_slice %add3A {offsets = [0, 0, 0], sizes = [1, 400, 128], strides = [1, 1, 1]} : vector<2x400x128xf32> to vector<1x400x128xf32>
    %squeeze3A_15 = vector.shape_cast %slice3A_14 : vector<1x400x128xf32> to vector<400x128xf32>
    %slice3A_16 = vector.extract_strided_slice %add3A {offsets = [1, 0, 0], sizes = [1, 400, 128], strides = [1, 1, 1]} : vector<2x400x128xf32> to vector<1x400x128xf32>
    %squeeze3A_17 = vector.shape_cast %slice3A_16 : vector<1x400x128xf32> to vector<400x128xf32>
    %concatenate3A = tpu.concatenate %squeeze3A_15, %squeeze3A_17 in 1 : vector<400x128xf32>, vector<400x128xf32> -> vector<400x256xf32>
    %mul3A = vector.broadcast %rsqrt3A : vector<400x1xf32> to vector<400x256xf32>
    %mul3A_18 = arith.mulf %concatenate3A, %mul3A : vector<400x256xf32>
    %max3A = arith.constant 0.000000e+00 : f32
    %max3A_19 = vector.broadcast %max3A : f32 to vector<400x256xf32>
    %max3A_20 = arith.maximumf %mul3A_18, %max3A_19 : vector<400x256xf32>
    %get3A_21 = arith.constant 0 : index
    %get3A_22 = arith.constant 0 : index
    %get3A_23 = vector.load %arg4[%get3A_21, %get3A_22] : memref<256x128xf32, #tpu.memory_space<vmem>>, vector<256x128xf32>
    %dot_general3A = arith.constant dense<0.000000e+00> : vector<400x128xf32>
    %dot_general3A_24 = tpu.matmul %max3A_20, %get3A_23, %dot_general3A {dimension_numbers = #tpu.dot_dimension_numbers<[1], [0], [0], [1], [0, 0, 1, 1], [], []>, transpose_lhs_hint = false} : vector<400x256xf32>, vector<256x128xf32>, vector<400x128xf32> -> vector<400x128xf32>
    %get3A_25 = arith.constant 0 : index
    %get3A_26 = arith.constant 0 : index
    %get3A_27 = vector.load %arg5[%get3A_25, %get3A_26] : memref<1x128xf32, #tpu.memory_space<vmem>>, vector<1x128xf32>
    %add3A_28 = vector.broadcast %get3A_27 : vector<1x128xf32> to vector<400x128xf32>
    %add3A_29 = arith.addf %dot_general3A_24, %add3A_28 : vector<400x128xf32>
    %swap3A = arith.constant 0 : index
    %swap3A_30 = arith.constant 0 : index
    %swap3A_31 = vector.load %arg6[%swap3A, %swap3A_30] : memref<400x128xf32, #tpu.memory_space<vmem>>, vector<400x128xf32>
    tpu.vector_store %arg6[%swap3A, %swap3A_30], %add3A_29 {strides = array<i32>} : memref<400x128xf32, #tpu.memory_space<vmem>>, vector<400x128xf32>,
    return
  }
  func.func @transform_0(%arg0: i32) -> (i32, i32, i32) {
    %c0_i32 = arith.constant 0 : i32
    %c0_i32_0 = arith.constant 0 : i32
    %c0_i32_1 = arith.constant 0 : i32
    return %c0_i32, %arg0, %c0_i32_0 : i32, i32, i32
  }
  func.func @transform_1(%arg0: i32) -> (i32, i32, i32) {
    %c0_i32 = arith.constant 0 : i32
    %c0_i32_0 = arith.constant 0 : i32
    %c0_i32_1 = arith.constant 0 : i32
    return %c0_i32, %arg0, %c0_i32_0 : i32, i32, i32
  }
  func.func @transform_2(%arg0: i32) -> (i32, i32, i32) {
    %c0_i32 = arith.constant 0 : i32
    %c0_i32_0 = arith.constant 0 : i32
    %c0_i32_1 = arith.constant 0 : i32
    return %c0_i32, %arg0, %c0_i32_0 : i32, i32, i32
  }
  func.func @transform_3(%arg0: i32) -> (i32, i32) {
    %c0_i32 = arith.constant 0 : i32
    %c0_i32_0 = arith.constant 0 : i32
    %c0_i32_1 = arith.constant 0 : i32
    return %c0_i32, %c0_i32_0 : i32, i32
  }
  func.func @transform_4(%arg0: i32) -> (i32, i32) {
    %c0_i32 = arith.constant 0 : i32
    %c0_i32_0 = arith.constant 0 : i32
    %c0_i32_1 = arith.constant 0 : i32
    return %c0_i32, %c0_i32_0 : i32, i32
  }
  func.func @transform_5(%arg0: i32) -> (i32, i32) {
    %c0_i32 = arith.constant 0 : i32
    %c0_i32_0 = arith.constant 0 : i32
    return %arg0, %c0_i32 : i32, i32
  }
}

</mosaic_0001>

<sc_bundles>
// kernel: kernel.12.cloned.1.call-start
scs
__scs_entry_jumppad:
0x0: {  	(pc) =	sbr.rel $0x88, $3  }
0x1: {  	(tag) =	ssettag $0x0;
	lr =	simm.s32 $0x1  }
0x2: {  	[smem:$0x3F96] =	sst lr;
	_ =	strace $0xD0000000  }
0x3: {  	_ = 	snop  }
0x4: {  	_ = 	snop  }
0x5: {  	_ = 	snop  }
0x6: {  	_ = 	snop  }
0x7: {  	_ = 	snop  }
__scs_overlays_trampoline_lowered:
0x8: {  	[smem:$0x3FA5] =	sst s0  }
0x9: {  	[smem:$0x3FA6] =	sst s1  }
0xa: {  	[smem:$0x3FA7] =	sst s2  }
0xb: {  	[smem:$0x3FA8] =	sst s3  }
0xc: {  	[smem:$0x3FA9] =	sst s4  }
0xd: {  	[smem:$0x3FAA] =	sst s5  }
0xe: {  	[smem:$0x3FAB] =	sst s6  }
0xf: {  	[smem:$0x3FAC] =	sst s7  }
0x10: {  	[smem:$0x3FAD] =	sst s8  }
0x11: {  	[smem:$0x3FAE] =	sst s9;
	s0 =	simm.s32 @!p0 $0x0  }
0x12: {  	s1 =	sld [smem:$0x3F94];
	s0 =	simm.s32 @p0 $0x1  }
0x13: {  	[smem:$0x3FAF] =	sst s0;
	s0 =	simm.s32 @!p1 $0x0  }
0x14: {  	s2 =	sld [smem:$0x3F93];
	s0 =	simm.s32 @p1 $0x1  }
0x15: {  	[smem:$0x3FB0] =	sst s0;
	s0 =	simm.s32 @!p2 $0x0  }
0x16: {  	s3 =	sld [smem:$0x3FDB];
	s0 =	simm.s32 @p2 $0x1  }
0x17: {  	s4 =	simm.s32 $0x1BF5;
	[smem:$0x3FB2] =	sst s0  }
0x18: {  	s0 =	sld [smem:$0x3F95];
	_ =	swait.ge [sflag:s4], $0x0  }
0x19: {  	s7 =	sld [smem:$0x3F96]  }
0x1a: {  	s8 =	sadd.s32 $0xFFFFE003, lr  }
0x1b: {  	s9 =	sadd.s32 $0xFFFFFEF7, lr;
	s5 =	simm.s32 $0xFFFFFFFF;
	p2 =	slt.u32 s8, $0xFFFFF086  }
0x1c: {  	p1 =	slt.u32 s9, $0xF7A;
	s5 =	simm.s32 @!p2 $0x0  }
0x1d: {  	s5 =	simm.s32 @p1 $0x1;
	p0 =	seq.s32 s7, s2  }
0x1e: {  	s7 =	smul.u32 @!p0 $0xF7A, s2;
	p2 =	seq.s32 @!p0 s5, $0x0  }
0x1f: {  	s9 =	smul.u32 $0xF7A, s1;
	s8 =	simm.s32 @!p0 $0x1BF5;
	p2 =	por !p2, p0  }
0x20: {  	[sflag:s8] =	ssyncset.s32 @!p0 $0xFFFFF086;
	s6 =	sadd.s32 @!p0 s3, s7;
	s7 =	simm.s32 @!p0 $0x108  }
0x21: {  	s3 =	sadd.s32 s3, s9;
	s6 =	sadd.s32 @!p0 $0x88, s6;
	s7 =	simm.s32 @p2 $0x1082  }
0x22: {  	[simem:s7], [sflag:s8] =	dma.local @!p0 [hbm:s6], $0xF7A  }
0x23: {  	s9 =	sor.u32 $0xD0000000, s2;
	s6 =	simm.s32 $0x108;
	_ =	swait.ge @!p0 [sflag:s8], $0x0  }
0x24: {  	s3 =	sadd.s32 $0x88, s3;
	s6 =	simm.s32 @!p1 $0x1082;
	[sflag:s4] =	ssyncset.s32 $0xFFFFF086  }
0x25: {  	[simem:s6], [sflag:s4] =	dma.local [hbm:s3], $0xF7A  }
0x26: {  	[smem:$0x3F96] =	sst s1;
	(tag) =	ssettag s2;
	_ =	strace s9  }
0x27: {  	s1 =	sld [smem:$0x3FA6]  }
0x28: {  	s2 =	sld [smem:$0x3FA7]  }
0x29: {  	s4 =	sld [smem:$0x3FA9]  }
0x2a: {  	p0 =	seq.s32 s5, $0x0;
	s5 =	sld [smem:$0x3FAA]  }
0x2b: {  	s6 =	sld [smem:$0x3FAB]  }
0x2c: {  	s7 =	sld [smem:$0x3FAC]  }
0x2d: {  	s3 =	simm.s32 $0x108;
	s8 =	sld [smem:$0x3FAD]  }
0x2e: {  	s3 =	simm.s32 @!p0 $0x1082;
	s9 =	sld [smem:$0x3FAE]  }
0x2f: {  	lr =	sadd.s32 s0, s3;
	s0 =	sld [smem:$0x3FA5]  }
0x30: {  	s3 =	sld [smem:$0x3FA8]  }
0x31: {  	[smem:$0x3FB1] =	sst s10  }
0x32: {  	s10 =	sld [smem:$0x3FAF];
	_ =	sdelay $0x3  }
0x33: {  	p0 =	seq.s32 s10, $0x1;
	s10 =	sld [smem:$0x3FB1];
	_ =	sdelay $0x3  }
0x34: {  	[smem:$0x3FB1] =	sst s10  }
0x35: {  	s10 =	sld [smem:$0x3FB0];
	_ =	sdelay $0x3  }
0x36: {  	p1 =	seq.s32 s10, $0x1;
	s10 =	sld [smem:$0x3FB1];
	_ =	sdelay $0x3  }
0x37: {  	[smem:$0x3FB1] =	sst s10  }
0x38: {  	s10 =	sld [smem:$0x3FB2]  }
0x39: {  	_ = 	snop;
	(pc) =	sbr.ind lr, $3  }
0x3a: {  	_ = 	snop  }
0x3b: {  	_ = 	snop  }
0x3c: {  	p2 =	seq.s32 s10, $0x1;
	s10 =	sld [smem:$0x3FB1]  }
0x3d: {  	_ =	shalt  }
0x3e: {  	_ =	shalt  }
0x3f: {  	_ =	shalt  }
0x40: {  	_ =	shalt  }
0x41: {  	_ =	shalt  }
0x42: {  	_ =	shalt  }
0x43: {  	_ =	shalt  }
0x44: {  	_ =	shalt  }
0x45: {  	_ =	shalt  }
0x46: {  	_ =	shalt  }
0x47: {  	_ =	shalt  }
0x48: {  	_ =	shalt  }
0x49: {  	_ =	shalt  }
0x4a: {  	_ =	shalt  }
0x4b: {  	_ =	shalt  }
0x4c: {  	_ =	shalt  }
0x4d: {  	_ =	shalt  }
0x4e: {  	_ =	shalt  }
0x4f: {  	_ =	shalt  }
0x50: {  	_ =	shalt  }
0x51: {  	_ =	shalt  }
0x52: {  	_ =	shalt  }
0x53: {  	_ =	shalt  }
0x54: {  	_ =	shalt  }
0x55: {  	_ =	shalt  }
0x56: {  	_ =	shalt  }
0x57: {  	_ =	shalt  }
0x58: {  	_ =	shalt  }
0x59: {  	_ =	shalt  }
0x5a: {  	_ =	shalt  }
0x5b: {  	_ =	shalt  }
0x5c: {  	_ =	shalt  }
0x5d: {  	_ =	shalt  }
0x5e: {  	_ =	shalt  }
0x5f: {  	_ =	shalt  }
0x60: {  	_ =	shalt  }
0x61: {  	_ =	shalt  }
0x62: {  	_ =	shalt  }
0x63: {  	_ =	shalt  }
0x64: {  	_ =	shalt  }
0x65: {  	_ =	shalt  }
0x66: {  	_ =	shalt  }
0x67: {  	_ =	shalt  }
0x68: {  	_ =	shalt  }
0x69: {  	_ =	shalt  }
0x6a: {  	_ =	shalt  }
0x6b: {  	_ =	shalt  }
0x6c: {  	_ =	shalt  }
0x6d: {  	_ =	shalt  }
0x6e: {  	_ =	shalt  }
0x6f: {  	_ =	shalt  }
0x70: {  	_ =	shalt  }
0x71: {  	_ =	shalt  }
0x72: {  	_ =	shalt  }
0x73: {  	_ =	shalt  }
0x74: {  	_ =	shalt  }
0x75: {  	_ =	shalt  }
0x76: {  	_ =	shalt  }
0x77: {  	_ =	shalt  }
0x78: {  	_ =	shalt  }
0x79: {  	_ =	shalt  }
0x7a: {  	_ =	shalt  }
0x7b: {  	_ =	shalt  }
0x7c: {  	_ =	shalt  }
0x7d: {  	_ =	shalt  }
0x7e: {  	_ =	shalt  }
0x7f: {  	_ =	shalt  }
0x80: {  	_ =	shalt  }
0x81: {  	_ =	shalt  }
0x82: {  	_ =	shalt  }
0x83: {  	_ =	shalt  }
0x84: {  	_ =	shalt  }
0x85: {  	_ =	shalt  }
0x86: {  	_ =	shalt  }
0x87: {  	_ =	shalt  }
.Lfunc_end0:
.L_simem_size_0:
called_computation.1_lowered:
.L_overlay_start_0:
0x88: {  	s2 =	sld [smem:$0x3FD9]  }
0x89: {  	s3 =	sld [smem:$0x3FFE];
	_ =	sdelay $0x1  }
0x8a: {  	s1 =	srdreg.scid  }
0x8b: {  	s0 =	sand.u32 $0x1, s1  }
0x8c: {  	s17 =	sshll.u32 s0, $0xA;
	s2 =	sadd.s32 s3, s2  }
0x8d: {  	s2 =	sadd.s32 s2, s17  }
0x8e: {  	[smem:$0x3FBD] =	sst s2  }
0x8f: {  	_ = 	snop  }
0x90: {  	s2 =	sld [smem:$0x3FC7]  }
0x91: {  	s18 =	sld [smem:$0x3FD0];
	(tm) =	ssettm $0x1  }
0x92: {  	s4 =	sld [smem:$0x3FFB];
	_ =	sdelay $0x3  }
0x93: {  	_ =	strace s4  }
0x94: {  	s4 =	sld [smem:$0x3FFC];
	_ =	sdelay $0x3  }
0x95: {  	_ =	strace s4  }
0x96: {  	s4 =	sld [smem:$0x3FFD];
	_ =	sdelay $0x3  }
0x97: {  	_ =	strace s4  }
0x98: {  	_ =	strace $0x8FFFFFFF  }
0x99: {  	s19 =	sld [smem:$0x3FDB];
	_ =	sdelay $0x1  }
0x9a: {  	s5 =	simm.s32 $_scs_section_size  }
0x9b: {  	s6 =	simm.s32 $_size__tile_overlayer_lowered;
	s7 =	simm.s32 $_tile_overlayer_lowered  }
0x9c: {  	s22 =	simm.s32 $0x1BFF;
	s21 =	sshll.u32 s7, $0x1;
	s4 =	sadd.s32 s5, s19  }
0x9d: {  	s8 =	simm.s32 $0x0;
	s20 =	sshll.u32 s6, $0x1;
	s6 =	sadd.s32 s21, s4  }
0x9e: {  	[timem:s8], [sflag:s22] =	dma.local [hbm:s6], s20  }
0x9f: {  	_ =	swait.ge [sflag:s22], s20  }
0xa0: {  	s5 =	ssub.s32 $0x0, s20;
	[sflag:s22] =	ssyncset.done $0x0  }
0xa1: {  	[sflag:s22] =	ssyncadd.s32 s5;
	_ =	sdelay $0x1  }
0xa2: {  	s23 =	simm.s32 $0x1B8B  }
0xa3: {  	_ =	swait.ge [sflag:s23], $0x1  }
0xa4: {  	[sflag:s23] =	ssyncset.done $0x0  }
0xa5: {  	s25 =	simm.s32 $0x1B8E;
	s24 =	sld [smem:$0x3FFE];
	[sflag:s23] =	ssyncadd.s32 $0xFFFFFFFF  }
0xa6: {  	s26 =	simm.s32 $execute0_lowered;
	[smem:$0x3FD2] =	sst s25  }
0xa7: {  	s6 =	sshll.u32 s26, $0x1;
	_ =	strace $0x80000049;
	[dreg:$0x1] =	wrdreg $0xFFFFFFFF  }
0xa8: {  	s28 =	simm.s32 $_size_execute0_lowered;
	s4 =	sadd.s32 s4, s6;
	[dreg:$0x0] =	wrdreg $0x0  }
0xa9: {  	s6 =	sshll.u32 s28, $0x1;
	[dreg:$0x2] =	wrdreg s4  }
0xaa: {  	[dreg:$0x3] =	wrdreg s6  }
0xab: {  	[dreg:$0x4] =	wrdreg $0xC0  }
0xac: {  	_ =	task [dreg:s8], $0x5FFFF  }
0xad: {  	[dreg:$0x1] =	wrdreg $0xFFFFFFFF  }
0xae: {  	[dreg:$0x0] =	wrdreg $0x60  }
0xaf: {  	[dreg:$0x2] =	wrdreg s24  }
0xb0: {  	[dreg:$0x3] =	wrdreg s2  }
0xb1: {  	[dreg:$0x4] =	wrdreg s18  }
0xb2: {  	[dreg:$0x5] =	wrdreg $0x29800  }
0xb3: {  	[dreg:$0x6] =	wrdreg $0x9  }
0xb4: {  	_ =	task.clear_ibuf [dreg:s8], $0x7FFFF;
	_ =	strace $0x90000049  }
0xb5: {  	s29 =	simm.s32 $0x9;
	_ =	strace $0x8000004B  }
0xb6: {  	_ =	swait.ge [sflag:s29], $0x1  }
0xb7: {  	[sflag:s29] =	ssyncadd.s32 $0xFFFFFFFF  }
0xb8: {  	_ =	strace $0x9000004B  }
0xb9: {  	_ =	sfence  }
0xba: {  	s30 =	sld [smem:$0x0];
	_ =	sdelay $0x2  }
0xbb: {  	s31 =	sshll.u32 s1, $0xD;
	s1 =	sshrl.u32 s1, $0x2  }
0xbc: {  	s3 =	sand.u32 $0x4000, s31;
	s1 =	sadd.s32 s1, s30  }
0xbd: {  	s0 =	sor.u32 s3, s0;
	s1 =	sshll.u32 s1, $0x11  }
0xbe: {  	s0 =	sor.u32 s1, s0  }
0xbf: {  	s0 =	sadd.s32 $0x8F2B, s0  }
0xc0: {  	[sflag:s0] =	ssyncadd.remote.s32 $0x1  }
0xc1: {  	_ =	sfence.sel $0xFFFF  }
0xc2: {  	[dreg:$0x0] =	wrdreg $0xFFFFFFFF;
	(pc) =	sbr.abs _section_cstart, $3  }
0xc3: {  	[dreg:$0x1] =	wrdreg $0xFFFFFFFF  }
0xc4: {  	_ =	task.clear_ibuf [dreg:s8], $0x2FFFF;
	_ =	strace $0x9FFFFFFF  }
0xc5: {  	(tm) =	ssettm $0x7FFFFFFF  }
tec
execute0_lowered:
.L_overlay_start_1:
0x0: {  	(tag) =	ssettag $0x1  }
0x1: {  	s9 =	rddreg [dreg:$0x0]  }
0x2: {  	s1 =	rddreg [dreg:$0x1]  }
0x3: {  	s3 =	rddreg [dreg:$0x2];
	s2 =	srdreg.scid  }
0x4: {  	s0 =	stileid.u32;
	s4 =	rddreg [dreg:$0x3]  }
0x5: {  	s5 =	simm.s32 $0x0;
	s17 =	simm.s32 $0x50;
	s18 =	simm.s32 $0x180  }
0x6: {  	s10 =	sand.u32 $0x1, s2;
	s7 =	smul.u32 $0x280, s0;
	s2 =	rddreg [dreg:$0x4]  }
0x7: {  	[smem:$0x7FF] =	sst s5;
	s6 =	sadd.s32 $0x5CA00, s9;
	s12 =	smul.u32 $0x50000, s0  }
0x8: {  	s13 =	sshll.u32 s0, $0x6;
	s16 =	smul.u32 $0x2800, s10;
	s31 =	ssub.s32 $0x2, s10  }
0x9: {  	_ =	strace $0x8000004A;
	s10 =	sshrl.u32 s31, $0x1;
	s12 =	sshrl.u32 s12, $0x2  }
0xa: {  	s8 =	sadd.s32 s7, s16;
	s7 =	sadd.s32 $0x2A00, s9;
	s14 =	ssub.s32 s31, s10  }
0xb: {  	s15 =	sadd.s32 s12, s4;
	s10 =	smul.u32 $0x2710, s0;
	v0 =	vmov s16;
	s16 =	simm.s32 $0x100  }
0xc: {  	s11 =	sshll.u32 s8, $0x4;
	s8 =	sadd.s32 $0x7A00, s9;
	s12 =	smax.u32 s14, $0x1  }
0xd: {  	s14 =	simm.s32 $0x1;
	s11 =	sadd.s32 s11, s9;
	s9 =	sor.u32 $0x1C01, s13  }
0xe: {  	s13 =	sshrl.u32 s15, $0x3;
	s15 =	simm.s32 $0x80;
	s11 =	sadd.s32 $0xACA00, s11  }
.LBB2_1:
0xf: {  	[spmem:s13], [sflag:s9] =	dma.local [hbm:s3], $0x2800  }
0x10: {  	_ =	swait.ge [sflag:s14], $0x2800  }
0x11: {  	[sflag:s14] =	ssyncset.done $0x0  }
0x12: {  	[sflag:s14] =	ssyncadd.s32 $0xFFFFD800  }
0x13: {  	s19 =	simm.s32 $0x0;
	[bflag:$0x0] =	sbarrier.arrive $0xFFFF  }
.LBB2_2:
0x14: {  	s20 =	smul.u32 $0x50, s19;
	_ =	sdelay $0x1  }
0x15: {  	s20 =	sadd.s32 s10, s20  }
0x16: {  	s20 =	sshrl.u32 s20, $0x3  }
0x17: {  	s22 =	simm.s32 $0x0;
	s21 =	sadd.s32 s7, s20  }
0x18: {  	[tilespmem:s22], [sflag:$0x1] =	stream.linear.gather [hbm4b:s21+s22], $0x50, $0x38;
	[tilespmem:$0x16980] =	vst v63  }
0x19: {  	_ =	swait.ge [sflag:s14], $0x50  }
0x1a: {  	[sflag:s14] =	ssyncset.done $0x0  }
0x1b: {  	s31 =	sadd.s32 s8, s20;
	[sflag:s14] =	ssyncadd.s32 $0xFFFFFFB0  }
0x1c: {  	[tilespmem:s15], [sflag:$0x1] =	stream.linear.gather [hbm4b:s31+s22], $0x50, $0x38;
	[tilespmem:$0x16980] =	vst v63  }
0x1d: {  	_ =	swait.ge [sflag:s14], $0x50  }
0x1e: {  	[sflag:s14] =	ssyncset.done $0x0  }
0x1f: {  	s20 =	sadd.s32 s1, s20;
	[sflag:s14] =	ssyncadd.s32 $0xFFFFFFB0  }
0x20: {  	[tilespmem:s16], [sflag:$0x1] =	stream.linear.gather [hbm4b:s20+s22], $0x50, $0x38;
	[tilespmem:$0x16980] =	vst v63  }
0x21: {  	_ =	swait.ge [sflag:s14], $0x50  }
0x22: {  	[sflag:s14] =	ssyncset.done $0x0  }
0x23: {  	[sflag:s14] =	ssyncadd.s32 $0xFFFFFFB0  }
0x24: {  	v1 =	vld [tilespmem:$0x0]  }
0x25: {  	v2 =	vld [tilespmem:$0x10]  }
0x26: {  	v3 =	vld [tilespmem:$0x20]  }
0x27: {  	v4 =	vld [tilespmem:$0x30]  }
0x28: {  	v5 =	vld [tilespmem:$0x40]  }
0x29: {  	v1 =	vadd.s32 v0, v1  }
0x2a: {  	[tilespmem:$0x0] =	vst v1;
	v1 =	vadd.s32 v0, v2  }
0x2b: {  	[tilespmem:$0x10] =	vst v1;
	v1 =	vadd.s32 v0, v3  }
0x2c: {  	[tilespmem:$0x20] =	vst v1;
	v1 =	vadd.s32 v0, v4  }
0x2d: {  	[tilespmem:$0x30] =	vst v1;
	v1 =	vadd.s32 v0, v5  }
0x2e: {  	[tilespmem:$0x40] =	vst v1  }
0x2f: {  	[tilespmem:s18], [sflag:$0x1] =	stream.indirect.gather [hbm4b:s6+s17], $0x80, s22, s17, $0xb8;
	[tilespmem:$0x16980] =	vst v63  }
0x30: {  	_ =	swait.ge [sflag:s14], $0x2800  }
0x31: {  	v1 =	vmov s22;
	[sflag:s14] =	ssyncset.done $0x0  }
0x32: {  	s20 =	simm.s32 $0x1C0;
	[sflag:s14] =	ssyncadd.s32 $0xFFFFD800  }
0x33: {  	v5 =	vld [tilespmem:s20+$0x30]  }
0x34: {  	v8 =	vld [tilespmem:s20+$0x10]  }
0x35: {  	v6 =	vld [tilespmem:s20+$0xFFFFFFC0]  }
0x36: {  	v2 =	vld.idx.msk [tilespmem:v1+s16+$0x0], $0xffff  }
0x37: {  	v10 =	vld [tilespmem:s20+$0xFFFFFFE0]  }
0x38: {  	v1 =	vld [tilespmem:s20+$0xFFFFFFF0]  }
0x39: {  	v3 =	vld [tilespmem:s20+$0x20]  }
0x3a: {  	v4 =	vld [tilespmem:s20+$0xFFFFFFD0]  }
0x3b: {  	v9 =	vmul.f32 v5, v2;
	v5 =	vld [tilespmem:s20+$0x0]  }
0x3c: {  	v7 =	vmul.f32 v6, v2  }
0x3d: {  	s21 =	simm.s32 $0x1;
	s22 =	simm.s32 $0x1C0;
	v6 =	vmul.f32 v10, v2;
	v8 =	vmul.f32 v8, v2  }
.LBB2_3:
0x3e: {  	p0 =	sne.s32 s21, $0x4F  }
0x3f: {  	v4 =	vmul.f32 v4, v2;
	v3 =	vmul.f32 v3, v2;
	[tilespmem:s20+$0x30] =	vst v9;
	s22 =	sadd.s32 $0x80, s22;
	s23 =	smov.u32 s21;
	s21 =	sadd.s32 $0x1, s21  }
0x40: {  	[tilespmem:s20+$0xFFFFFFC0] =	vst v7;
	v7 =	vmul.f32 v1, v2;
	v2 =	vmul.f32 v5, v2  }
0x41: {  	[tilespmem:s20+$0x10] =	vst v8  }
0x42: {  	v5 =	vmov s23;
	[tilespmem:s20+$0xFFFFFFE0] =	vst v6  }
0x43: {  	v1 =	vld [tilespmem:s22+$0xFFFFFFF0];
	[tilespmem:s20+$0xFFFFFFF0] =	vst v7  }
0x44: {  	v6 =	vld [tilespmem:s22+$0x30];
	[tilespmem:s20+$0x0] =	vst v2  }
0x45: {  	v8 =	vld [tilespmem:s22+$0x10];
	[tilespmem:s20+$0x20] =	vst v3  }
0x46: {  	v7 =	vld [tilespmem:s22+$0xFFFFFFC0];
	[tilespmem:s20+$0xFFFFFFD0] =	vst v4;
	s20 =	smov.u32 s22  }
0x47: {  	v2 =	vld.idx.msk [tilespmem:v5+s16+$0x0], $0xffff  }
0x48: {  	v10 =	vld [tilespmem:s22+$0xFFFFFFE0]  }
0x49: {  	v3 =	vld [tilespmem:s22+$0x20]  }
.Ltmp0:
0x4a: {  	v4 =	vld [tilespmem:s22+$0xFFFFFFD0];
	(pc) =	sbr.rel @p0 .LBB2_3-.Ltmp0, $3  }
0x4b: {  	v5 =	vld [tilespmem:s22+$0x0];
	_ =	sdelay $0x1  }
0x4c: {  	v7 =	vmul.f32 v7, v2;
	v9 =	vmul.f32 v6, v2  }
0x4d: {  	v8 =	vmul.f32 v8, v2;
	v6 =	vmul.f32 v10, v2  }
0x4e: {  	[tilespmem:s20+$0x30] =	vst v9  }
0x4f: {  	[tilespmem:s20+$0xFFFFFFC0] =	vst v7  }
0x50: {  	v1 =	vmul.f32 v1, v2;
	[tilespmem:s20+$0x10] =	vst v8  }
0x51: {  	v3 =	vmul.f32 v3, v2;
	[tilespmem:s20+$0xFFFFFFE0] =	vst v6  }
0x52: {  	v5 =	vmul.f32 v5, v2;
	[tilespmem:s20+$0xFFFFFFF0] =	vst v1  }
0x53: {  	s19 =	sadd.s32 $0x1, s19;
	v1 =	vmul.f32 v4, v2;
	[tilespmem:s20+$0x20] =	vst v3  }
0x54: {  	p0 =	sne.s32 s19, $0x7D;
	[tilespmem:s20+$0x0] =	vst v5  }
.Ltmp1:
0x55: {  	[tilespmem:s20+$0xFFFFFFD0] =	vst v1;
	(pc) =	sbr.rel @p0 .LBB2_2-.Ltmp1, $4  }
0x56: {  	[spmem:s4] =	stream.indirect.scatter.add.f32 [tilespmem:s18], [sflag:$0x1], $0x80, s15, s17, $0xb8;
	[tilespmem:$0x16980] =	vst v63  }
0x57: {  	_ =	swait.ge [sflag:s14], $0x2800  }
0x58: {  	[sflag:s14] =	ssyncset.done $0x0  }
0x59: {  	[sflag:s14] =	ssyncadd.s32 $0xFFFFD800  }
0x5a: {  	s5 =	sadd.s32 $0x1, s5  }
0x5b: {  	p0 =	sne.s32 s5, s12  }
.Ltmp2:
0x5c: {  	[bflag:$0x0] =	sbarrier.arrive $0xFFFF;
	(pc) =	sbr.rel @p0 .LBB2_1-.Ltmp2, $4  }
0x5d: {  	[hbm:s11], [sflag:s9] =	dma.local [spmem:s13], $0x2800  }
0x5e: {  	_ =	swait.ge [sflag:s14], $0x2800  }
0x5f: {  	[sflag:s14] =	ssyncset.done $0x0  }
0x60: {  	[sflag:s14] =	ssyncadd.s32 $0xFFFFD800  }
0x61: {  	_ =	sfence.sel $0x180000  }
0x62: {  	[bflag:$0x0] =	sbarrier.arrive $0xFFFF  }
0x63: {  	p0 =	sne.s32 s0, $0x0;
	_ =	strace $0x9000004A  }
0x64: {  	s0 =	sadd.s32 @!p0 $0x100000, s2;
	[bflag:$0x2] =	sbarrier.arrive $0xFFFF  }
0x65: {  	[sflag:s0] =	ssyncadd.tile.s32 @!p0 $0x1;
	_ =	shalt  }
.Lfunc_end2:
_tile_overlayer_lowered:
.L_overlay_start_2:
0x66: {  	(tag) =	ssettag $0x2  }
0x67: {  	s0 =	rddreg [dreg:$0x0];
	s2 =	stileid.u32  }
0x68: {  	s1 =	rddreg [dreg:$0x1];
	p0 =	sne.s32 s2, $0x0  }
0x69: {  	s3 =	rddreg [dreg:$0x2];
	[bflag:$0x3] =	sbarrier.arrive $0xFFFF;
	s2 =	simm.s32 @!p0 $0x1C01  }
0x6a: {  	[timem:s3], [sflag:s2] =	dma.local @!p0 [hbm:s0], s1  }
0x6b: {  	s0 =	simm.s32 @!p0 $0x1  }
0x6c: {  	_ =	swait.ge @!p0 [sflag:s0], s1  }
0x6d: {  	s1 =	ssub.s32 @!p0 $0x0, s1;
	[sflag:s0] =	ssyncset.done @!p0 $0x0  }
0x6e: {  	[sflag:s0] =	ssyncadd.s32 @!p0 s1  }
0x6f: {  	[bflag:$0x3] =	sbarrier.arrive $0xFFFF  }
0x70: {  	_ =	shalt  }

// kernel: kernel.15.cloned.1.call-start
scs
__scs_entry_jumppad:
0x0: {  	(pc) =	sbr.rel $0x88, $3  }
0x1: {  	(tag) =	ssettag $0x0;
	lr =	simm.s32 $0x1  }
0x2: {  	[smem:$0x3F96] =	sst lr;
	_ =	strace $0xD0000000  }
0x3: {  	_ = 	snop  }
0x4: {  	_ = 	snop  }
0x5: {  	_ = 	snop  }
0x6: {  	_ = 	snop  }
0x7: {  	_ = 	snop  }
__scs_overlays_trampoline_lowered:
0x8: {  	[smem:$0x3FA5] =	sst s0  }
0x9: {  	[smem:$0x3FA6] =	sst s1  }
0xa: {  	[smem:$0x3FA7] =	sst s2  }
0xb: {  	[smem:$0x3FA8] =	sst s3  }
0xc: {  	[smem:$0x3FA9] =	sst s4  }
0xd: {  	[smem:$0x3FAA] =	sst s5  }
0xe: {  	[smem:$0x3FAB] =	sst s6  }
0xf: {  	[smem:$0x3FAC] =	sst s7  }
0x10: {  	[smem:$0x3FAD] =	sst s8  }
0x11: {  	[smem:$0x3FAE] =	sst s9;
	s0 =	simm.s32 @!p0 $0x0  }
0x12: {  	s1 =	sld [smem:$0x3F94];
	s0 =	simm.s32 @p0 $0x1  }
0x13: {  	[smem:$0x3FAF] =	sst s0;
	s0 =	simm.s32 @!p1 $0x0  }
0x14: {  	s2 =	sld [smem:$0x3F93];
	s0 =	simm.s32 @p1 $0x1  }
0x15: {  	[smem:$0x3FB0] =	sst s0;
	s0 =	simm.s32 @!p2 $0x0  }
0x16: {  	s3 =	sld [smem:$0x3FDB];
	s0 =	simm.s32 @p2 $0x1  }
0x17: {  	s4 =	simm.s32 $0x1BF5;
	[smem:$0x3FB2] =	sst s0  }
0x18: {  	s0 =	sld [smem:$0x3F95];
	_ =	swait.ge [sflag:s4], $0x0  }
0x19: {  	s7 =	sld [smem:$0x3F96]  }
0x1a: {  	s8 =	sadd.s32 $0xFFFFE003, lr  }
0x1b: {  	s9 =	sadd.s32 $0xFFFFFEF7, lr;
	s5 =	simm.s32 $0xFFFFFFFF;
	p2 =	slt.u32 s8, $0xFFFFF086  }
0x1c: {  	p1 =	slt.u32 s9, $0xF7A;
	s5 =	simm.s32 @!p2 $0x0  }
0x1d: {  	s5 =	simm.s32 @p1 $0x1;
	p0 =	seq.s32 s7, s2  }
0x1e: {  	s7 =	smul.u32 @!p0 $0xF7A, s2;
	p2 =	seq.s32 @!p0 s5, $0x0  }
0x1f: {  	s9 =	smul.u32 $0xF7A, s1;
	s8 =	simm.s32 @!p0 $0x1BF5;
	p2 =	por !p2, p0  }
0x20: {  	[sflag:s8] =	ssyncset.s32 @!p0 $0xFFFFF086;
	s6 =	sadd.s32 @!p0 s3, s7;
	s7 =	simm.s32 @!p0 $0x108  }
0x21: {  	s3 =	sadd.s32 s3, s9;
	s6 =	sadd.s32 @!p0 $0x88, s6;
	s7 =	simm.s32 @p2 $0x1082  }
0x22: {  	[simem:s7], [sflag:s8] =	dma.local @!p0 [hbm:s6], $0xF7A  }
0x23: {  	s9 =	sor.u32 $0xD0000000, s2;
	s6 =	simm.s32 $0x108;
	_ =	swait.ge @!p0 [sflag:s8], $0x0  }
0x24: {  	s3 =	sadd.s32 $0x88, s3;
	s6 =	simm.s32 @!p1 $0x1082;
	[sflag:s4] =	ssyncset.s32 $0xFFFFF086  }
0x25: {  	[simem:s6], [sflag:s4] =	dma.local [hbm:s3], $0xF7A  }
0x26: {  	[smem:$0x3F96] =	sst s1;
	(tag) =	ssettag s2;
	_ =	strace s9  }
0x27: {  	s1 =	sld [smem:$0x3FA6]  }
0x28: {  	s2 =	sld [smem:$0x3FA7]  }
0x29: {  	s4 =	sld [smem:$0x3FA9]  }
0x2a: {  	p0 =	seq.s32 s5, $0x0;
	s5 =	sld [smem:$0x3FAA]  }
0x2b: {  	s6 =	sld [smem:$0x3FAB]  }
0x2c: {  	s7 =	sld [smem:$0x3FAC]  }
0x2d: {  	s3 =	simm.s32 $0x108;
	s8 =	sld [smem:$0x3FAD]  }
0x2e: {  	s3 =	simm.s32 @!p0 $0x1082;
	s9 =	sld [smem:$0x3FAE]  }
0x2f: {  	lr =	sadd.s32 s0, s3;
	s0 =	sld [smem:$0x3FA5]  }
0x30: {  	s3 =	sld [smem:$0x3FA8]  }
0x31: {  	[smem:$0x3FB1] =	sst s10  }
0x32: {  	s10 =	sld [smem:$0x3FAF];
	_ =	sdelay $0x3  }
0x33: {  	p0 =	seq.s32 s10, $0x1;
	s10 =	sld [smem:$0x3FB1];
	_ =	sdelay $0x3  }
0x34: {  	[smem:$0x3FB1] =	sst s10  }
0x35: {  	s10 =	sld [smem:$0x3FB0];
	_ =	sdelay $0x3  }
0x36: {  	p1 =	seq.s32 s10, $0x1;
	s10 =	sld [smem:$0x3FB1];
	_ =	sdelay $0x3  }
0x37: {  	[smem:$0x3FB1] =	sst s10  }
0x38: {  	s10 =	sld [smem:$0x3FB2]  }
0x39: {  	_ = 	snop;
	(pc) =	sbr.ind lr, $3  }
0x3a: {  	_ = 	snop  }
0x3b: {  	_ = 	snop  }
0x3c: {  	p2 =	seq.s32 s10, $0x1;
	s10 =	sld [smem:$0x3FB1]  }
0x3d: {  	_ =	shalt  }
0x3e: {  	_ =	shalt  }
0x3f: {  	_ =	shalt  }
0x40: {  	_ =	shalt  }
0x41: {  	_ =	shalt  }
0x42: {  	_ =	shalt  }
0x43: {  	_ =	shalt  }
0x44: {  	_ =	shalt  }
0x45: {  	_ =	shalt  }
0x46: {  	_ =	shalt  }
0x47: {  	_ =	shalt  }
0x48: {  	_ =	shalt  }
0x49: {  	_ =	shalt  }
0x4a: {  	_ =	shalt  }
0x4b: {  	_ =	shalt  }
0x4c: {  	_ =	shalt  }
0x4d: {  	_ =	shalt  }
0x4e: {  	_ =	shalt  }
0x4f: {  	_ =	shalt  }
0x50: {  	_ =	shalt  }
0x51: {  	_ =	shalt  }
0x52: {  	_ =	shalt  }
0x53: {  	_ =	shalt  }
0x54: {  	_ =	shalt  }
0x55: {  	_ =	shalt  }
0x56: {  	_ =	shalt  }
0x57: {  	_ =	shalt  }
0x58: {  	_ =	shalt  }
0x59: {  	_ =	shalt  }
0x5a: {  	_ =	shalt  }
0x5b: {  	_ =	shalt  }
0x5c: {  	_ =	shalt  }
0x5d: {  	_ =	shalt  }
0x5e: {  	_ =	shalt  }
0x5f: {  	_ =	shalt  }
0x60: {  	_ =	shalt  }
0x61: {  	_ =	shalt  }
0x62: {  	_ =	shalt  }
0x63: {  	_ =	shalt  }
0x64: {  	_ =	shalt  }
0x65: {  	_ =	shalt  }
0x66: {  	_ =	shalt  }
0x67: {  	_ =	shalt  }
0x68: {  	_ =	shalt  }
0x69: {  	_ =	shalt  }
0x6a: {  	_ =	shalt  }
0x6b: {  	_ =	shalt  }
0x6c: {  	_ =	shalt  }
0x6d: {  	_ =	shalt  }
0x6e: {  	_ =	shalt  }
0x6f: {  	_ =	shalt  }
0x70: {  	_ =	shalt  }
0x71: {  	_ =	shalt  }
0x72: {  	_ =	shalt  }
0x73: {  	_ =	shalt  }
0x74: {  	_ =	shalt  }
0x75: {  	_ =	shalt  }
0x76: {  	_ =	shalt  }
0x77: {  	_ =	shalt  }
0x78: {  	_ =	shalt  }
0x79: {  	_ =	shalt  }
0x7a: {  	_ =	shalt  }
0x7b: {  	_ =	shalt  }
0x7c: {  	_ =	shalt  }
0x7d: {  	_ =	shalt  }
0x7e: {  	_ =	shalt  }
0x7f: {  	_ =	shalt  }
0x80: {  	_ =	shalt  }
0x81: {  	_ =	shalt  }
0x82: {  	_ =	shalt  }
0x83: {  	_ =	shalt  }
0x84: {  	_ =	shalt  }
0x85: {  	_ =	shalt  }
0x86: {  	_ =	shalt  }
0x87: {  	_ =	shalt  }
.Lfunc_end0:
.L_simem_size_0:
called_computation.2_lowered:
.L_overlay_start_0:
0x88: {  	s2 =	sld [smem:$0x3FD9]  }
0x89: {  	s3 =	sld [smem:$0x3FFE];
	_ =	sdelay $0x1  }
0x8a: {  	s1 =	srdreg.scid  }
0x8b: {  	s0 =	sand.u32 $0x1, s1  }
0x8c: {  	s17 =	sshll.u32 s0, $0xA;
	s2 =	sadd.s32 s3, s2  }
0x8d: {  	s2 =	sadd.s32 s2, s17  }
0x8e: {  	[smem:$0x3FBD] =	sst s2  }
0x8f: {  	_ = 	snop  }
0x90: {  	s2 =	sld [smem:$0x3FD0];
	(tm) =	ssettm $0x1  }
0x91: {  	s18 =	sld [smem:$0x3FFB];
	_ =	sdelay $0x3  }
0x92: {  	_ =	strace s18  }
0x93: {  	s3 =	sld [smem:$0x3FFC];
	_ =	sdelay $0x3  }
0x94: {  	_ =	strace s3  }
0x95: {  	s3 =	sld [smem:$0x3FFD];
	_ =	sdelay $0x3  }
0x96: {  	_ =	strace s3  }
0x97: {  	_ =	strace $0x8FFFFFFF  }
0x98: {  	s19 =	sld [smem:$0x3FDB];
	_ =	sdelay $0x1  }
0x99: {  	s4 =	simm.s32 $_scs_section_size  }
0x9a: {  	s5 =	simm.s32 $_size__tile_overlayer_lowered;
	s6 =	simm.s32 $_tile_overlayer_lowered  }
0x9b: {  	s22 =	simm.s32 $0x1BFF;
	s21 =	sshll.u32 s6, $0x1;
	s3 =	sadd.s32 s4, s19  }
0x9c: {  	s7 =	simm.s32 $0x0;
	s20 =	sshll.u32 s5, $0x1;
	s5 =	sadd.s32 s21, s3  }
0x9d: {  	[timem:s7], [sflag:s22] =	dma.local [hbm:s5], s20  }
0x9e: {  	_ =	swait.ge [sflag:s22], s20  }
0x9f: {  	s4 =	ssub.s32 $0x0, s20;
	[sflag:s22] =	ssyncset.done $0x0  }
0xa0: {  	[sflag:s22] =	ssyncadd.s32 s4;
	_ =	sdelay $0x1  }
0xa1: {  	s23 =	simm.s32 $0x1B8B  }
0xa2: {  	_ =	swait.ge [sflag:s23], $0x1  }
0xa3: {  	[sflag:s23] =	ssyncset.done $0x0  }
0xa4: {  	s25 =	simm.s32 $0x1B8E;
	s24 =	sld [smem:$0x3FFE];
	[sflag:s23] =	ssyncadd.s32 $0xFFFFFFFF  }
0xa5: {  	s26 =	simm.s32 $execute0_lowered;
	[smem:$0x3FD2] =	sst s25  }
0xa6: {  	s5 =	sshll.u32 s26, $0x1;
	_ =	strace $0x8000004C;
	[dreg:$0x1] =	wrdreg $0xFFFFFFFF  }
0xa7: {  	s28 =	simm.s32 $_size_execute0_lowered;
	s3 =	sadd.s32 s3, s5;
	[dreg:$0x0] =	wrdreg $0x0  }
0xa8: {  	s5 =	sshll.u32 s28, $0x1;
	[dreg:$0x2] =	wrdreg s3  }
0xa9: {  	[dreg:$0x3] =	wrdreg s5  }
0xaa: {  	[dreg:$0x4] =	wrdreg $0xC0  }
0xab: {  	_ =	task [dreg:s7], $0x5FFFF  }
0xac: {  	[dreg:$0x1] =	wrdreg $0xFFFFFFFF  }
0xad: {  	[dreg:$0x0] =	wrdreg $0x60  }
0xae: {  	[dreg:$0x2] =	wrdreg s24  }
0xaf: {  	[dreg:$0x3] =	wrdreg s2  }
0xb0: {  	[dreg:$0x4] =	wrdreg $0x29000  }
0xb1: {  	[dreg:$0x5] =	wrdreg $0x9  }
0xb2: {  	_ =	task.clear_ibuf [dreg:s7], $0x6FFFF;
	_ =	strace $0x9000004C  }
0xb3: {  	s29 =	simm.s32 $0x9;
	_ =	strace $0x8000004E  }
0xb4: {  	_ =	swait.ge [sflag:s29], $0x1  }
0xb5: {  	[sflag:s29] =	ssyncadd.s32 $0xFFFFFFFF  }
0xb6: {  	_ =	strace $0x9000004E  }
0xb7: {  	_ =	sfence  }
0xb8: {  	s30 =	sld [smem:$0x0];
	_ =	sdelay $0x2  }
0xb9: {  	s31 =	sshll.u32 s1, $0xD;
	s1 =	sshrl.u32 s1, $0x2  }
0xba: {  	s3 =	sand.u32 $0x4000, s31;
	s1 =	sadd.s32 s1, s30  }
0xbb: {  	s0 =	sor.u32 s3, s0;
	s1 =	sshll.u32 s1, $0x11  }
0xbc: {  	s0 =	sor.u32 s1, s0  }
0xbd: {  	s0 =	sadd.s32 $0x8F2B, s0  }
0xbe: {  	[sflag:s0] =	ssyncadd.remote.s32 $0x1  }
0xbf: {  	_ =	sfence.sel $0xFFFF  }
0xc0: {  	[dreg:$0x0] =	wrdreg $0xFFFFFFFF;
	(pc) =	sbr.abs _section_cstart, $3  }
0xc1: {  	[dreg:$0x1] =	wrdreg $0xFFFFFFFF  }
0xc2: {  	_ =	task.clear_ibuf [dreg:s7], $0x2FFFF;
	_ =	strace $0x9FFFFFFF  }
0xc3: {  	(tm) =	ssettm $0x7FFFFFFF  }
tec
execute0_lowered:
.L_overlay_start_1:
0x0: {  	(tag) =	ssettag $0x1  }
0x1: {  	s6 =	rddreg [dreg:$0x0]  }
0x2: {  	s2 =	rddreg [dreg:$0x1]  }
0x3: {  	s3 =	rddreg [dreg:$0x2]  }
0x4: {  	s0 =	rddreg [dreg:$0x3]  }
0x5: {  	s1 =	stileid.u32;
	s5 =	srdreg.scid  }
0x6: {  	s4 =	simm.s32 $0x0;
	s13 =	simm.s32 $0x80;
	s8 =	smul.u32 $0x280, s1  }
0x7: {  	s15 =	simm.s32 $0x100;
	s16 =	simm.s32 $0x0;
	s9 =	smul.u32 $0x4E2, s1  }
0x8: {  	s7 =	sand.u32 $0x1, s5;
	[smem:$0x7FF] =	sst s4;
	s10 =	smul.u32 $0x50000, s1  }
0x9: {  	s5 =	sadd.s32 $0x5CA00, s6;
	s31 =	sshll.u32 s1, $0x6;
	s14 =	smul.u32 $0x2800, s7  }
0xa: {  	_ =	strace $0x8000004D;
	s7 =	ssub.s32 $0x2, s7;
	s11 =	sadd.s32 s9, s6  }
0xb: {  	s28 =	sshrl.u32 s7, $0x1;
	s30 =	sshrl.u32 s10, $0x2;
	s8 =	sadd.s32 s8, s14  }
0xc: {  	s29 =	ssub.s32 s7, s28;
	s12 =	sadd.s32 s30, s3;
	s9 =	sadd.s32 $0x7A00, s11  }
0xd: {  	s10 =	sadd.s32 $0x2A00, s11;
	v0 =	vmov s14;
	s14 =	simm.s32 $0x50;
	s8 =	sshll.u32 s8, $0x4  }
0xe: {  	s11 =	sshrl.u32 s12, $0x3;
	s12 =	simm.s32 $0x1;
	s8 =	sadd.s32 s8, s6  }
0xf: {  	s6 =	sor.u32 $0x1C01, s31;
	s7 =	sadd.s32 $0xACA00, s8;
	s8 =	smax.u32 s29, $0x1  }
.LBB2_1:
0x10: {  	[spmem:s11], [sflag:s6] =	dma.local [hbm:s2], $0x2800  }
0x11: {  	_ =	swait.ge [sflag:s12], $0x2800  }
0x12: {  	[sflag:s12] =	ssyncset.done $0x0  }
0x13: {  	[sflag:s12] =	ssyncadd.s32 $0xFFFFD800  }
0x14: {  	s17 =	sadd.s32 $0x0, s10;
	[bflag:$0x0] =	sbarrier.arrive $0xFFFF  }
0x15: {  	[tilespmem:s4], [sflag:$0x1] =	stream.linear.gather [hbm4b:s17+s4], $0x50, $0x38;
	[tilespmem:$0x16900] =	vst v63  }
0x16: {  	_ =	swait.ge [sflag:s12], $0x50  }
0x17: {  	[sflag:s12] =	ssyncset.done $0x0  }
0x18: {  	s31 =	sadd.s32 $0x0, s9;
	[sflag:s12] =	ssyncadd.s32 $0xFFFFFFB0  }
0x19: {  	[tilespmem:s13], [sflag:$0x1] =	stream.linear.gather [hbm4b:s31+s4], $0x50, $0x38;
	[tilespmem:$0x16900] =	vst v63  }
0x1a: {  	_ =	swait.ge [sflag:s12], $0x50  }
0x1b: {  	[sflag:s12] =	ssyncset.done $0x0  }
0x1c: {  	[sflag:s12] =	ssyncadd.s32 $0xFFFFFFB0  }
0x1d: {  	v1 =	vld [tilespmem:$0x40]  }
0x1e: {  	v2 =	vld [tilespmem:$0x20]  }
0x1f: {  	v3 =	vld [tilespmem:$0x30]  }
0x20: {  	v4 =	vld [tilespmem:$0x10]  }
0x21: {  	v5 =	vld [tilespmem:$0x0]  }
0x22: {  	v1 =	vadd.s32 v0, v1  }
0x23: {  	v2 =	vadd.s32 v0, v2;
	[tilespmem:$0x40] =	vst v1  }
0x24: {  	[tilespmem:$0x20] =	vst v2;
	v1 =	vadd.s32 v0, v3  }
0x25: {  	v2 =	vadd.s32 v0, v4;
	[tilespmem:$0x30] =	vst v1  }
0x26: {  	v1 =	vadd.s32 v0, v5;
	[tilespmem:$0x10] =	vst v2  }
0x27: {  	[tilespmem:$0x0] =	vst v1  }
0x28: {  	[tilespmem:s15], [sflag:$0x1] =	stream.indirect.gather [hbm4b:s5+s14], $0x80, s4, s14, $0xb8;
	[tilespmem:$0x16900] =	vst v63  }
0x29: {  	_ =	swait.ge [sflag:s12], $0x2800  }
0x2a: {  	s17 =	simm.s32 $0xA;
	[sflag:s12] =	ssyncset.done $0x0  }
.LBB2_2:
0x2b: {  	p0 =	sne.s32 s17, $0x4D8  }
0x2c: {  	[sflag:s12] =	ssyncadd.s32 $0xFFFFD800;
	s18 =	smov.u32 s17;
	s17 =	sadd.s32 $0xA, s17  }
0x2d: {  	[spmem:s3] =	stream.indirect.scatter.add.f32 [tilespmem:s15], [sflag:$0x1], $0x80, s13, s14, $0xb8;
	[tilespmem:$0x16900] =	vst v63  }
0x2e: {  	_ =	swait.ge [sflag:s12], $0x2800  }
0x2f: {  	[sflag:s12] =	ssyncset.done $0x0  }
0x30: {  	s19 =	sadd.s32 s18, s10;
	[sflag:s12] =	ssyncadd.s32 $0xFFFFD800  }
0x31: {  	[tilespmem:s4], [sflag:$0x1] =	stream.linear.gather [hbm4b:s19+s4], $0x50, $0x38;
	[tilespmem:$0x16900] =	vst v63  }
0x32: {  	_ =	swait.ge [sflag:s12], $0x50  }
0x33: {  	[sflag:s12] =	ssyncset.done $0x0  }
0x34: {  	s18 =	sadd.s32 s18, s9;
	[sflag:s12] =	ssyncadd.s32 $0xFFFFFFB0  }
0x35: {  	[tilespmem:s13], [sflag:$0x1] =	stream.linear.gather [hbm4b:s18+s4], $0x50, $0x38;
	[tilespmem:$0x16900] =	vst v63  }
0x36: {  	_ =	swait.ge [sflag:s12], $0x50  }
0x37: {  	[sflag:s12] =	ssyncset.done $0x0  }
0x38: {  	[sflag:s12] =	ssyncadd.s32 $0xFFFFFFB0  }
0x39: {  	v1 =	vld [tilespmem:$0x40]  }
0x3a: {  	v2 =	vld [tilespmem:$0x20]  }
0x3b: {  	v3 =	vld [tilespmem:$0x30]  }
0x3c: {  	v4 =	vld [tilespmem:$0x10]  }
0x3d: {  	v5 =	vld [tilespmem:$0x0]  }
0x3e: {  	v1 =	vadd.s32 v0, v1  }
0x3f: {  	v2 =	vadd.s32 v0, v2;
	[tilespmem:$0x40] =	vst v1  }
0x40: {  	[tilespmem:$0x20] =	vst v2;
	v1 =	vadd.s32 v0, v3  }
0x41: {  	v2 =	vadd.s32 v0, v4;
	[tilespmem:$0x30] =	vst v1  }
.Ltmp0:
0x42: {  	v1 =	vadd.s32 v0, v5;
	[tilespmem:$0x10] =	vst v2;
	(pc) =	sbr.rel @p0 .LBB2_2-.Ltmp0, $4  }
0x43: {  	[tilespmem:$0x0] =	vst v1  }
0x44: {  	[tilespmem:s15], [sflag:$0x1] =	stream.indirect.gather [hbm4b:s5+s14], $0x80, s4, s14, $0xb8;
	[tilespmem:$0x16900] =	vst v63  }
0x45: {  	_ =	swait.ge [sflag:s12], $0x2800  }
0x46: {  	[sflag:s12] =	ssyncset.done $0x0  }
0x47: {  	[sflag:s12] =	ssyncadd.s32 $0xFFFFD800  }
0x48: {  	[spmem:s3] =	stream.indirect.scatter.add.f32 [tilespmem:s15], [sflag:$0x1], $0x80, s13, s14, $0xb8;
	[tilespmem:$0x16900] =	vst v63  }
0x49: {  	_ =	swait.ge [sflag:s12], $0x2800  }
0x4a: {  	s16 =	sadd.s32 $0x1, s16;
	[sflag:s12] =	ssyncset.done $0x0  }
0x4b: {  	p0 =	sne.s32 s16, s8;
	[sflag:s12] =	ssyncadd.s32 $0xFFFFD800  }
.Ltmp1:
0x4c: {  	[bflag:$0x0] =	sbarrier.arrive $0xFFFF;
	(pc) =	sbr.rel @p0 .LBB2_1-.Ltmp1, $4  }
0x4d: {  	[hbm:s7], [sflag:s6] =	dma.local [spmem:s11], $0x2800  }
0x4e: {  	_ =	swait.ge [sflag:s12], $0x2800  }
0x4f: {  	[sflag:s12] =	ssyncset.done $0x0  }
0x50: {  	[sflag:s12] =	ssyncadd.s32 $0xFFFFD800  }
0x51: {  	_ =	sfence.sel $0x180000  }
0x52: {  	[bflag:$0x0] =	sbarrier.arrive $0xFFFF  }
0x53: {  	p0 =	sne.s32 s1, $0x0;
	_ =	strace $0x9000004D  }
0x54: {  	s0 =	sadd.s32 @!p0 $0x100000, s0;
	[bflag:$0x2] =	sbarrier.arrive $0xFFFF  }
0x55: {  	[sflag:s0] =	ssyncadd.tile.s32 @!p0 $0x1;
	_ =	shalt  }
.Lfunc_end2:
_tile_overlayer_lowered:
.L_overlay_start_2:
0x56: {  	(tag) =	ssettag $0x2  }
0x57: {  	s0 =	rddreg [dreg:$0x0];
	s2 =	stileid.u32  }
0x58: {  	s1 =	rddreg [dreg:$0x1];
	p0 =	sne.s32 s2, $0x0  }
0x59: {  	s3 =	rddreg [dreg:$0x2];
	[bflag:$0x3] =	sbarrier.arrive $0xFFFF;
	s2 =	simm.s32 @!p0 $0x1C01  }
0x5a: {  	[timem:s3], [sflag:s2] =	dma.local @!p0 [hbm:s0], s1  }
0x5b: {  	s0 =	simm.s32 @!p0 $0x1  }
0x5c: {  	_ =	swait.ge @!p0 [sflag:s0], s1  }
0x5d: {  	s1 =	ssub.s32 @!p0 $0x0, s1;
	[sflag:s0] =	ssyncset.done @!p0 $0x0  }
0x5e: {  	[sflag:s0] =	ssyncadd.s32 @!p0 s1  }
0x5f: {  	[bflag:$0x3] =	sbarrier.arrive $0xFFFF  }
0x60: {  	_ =	shalt  }

// kernel: kernel.9.cloned.1.call-start
scs
__scs_entry_jumppad:
0x0: {  	(pc) =	sbr.rel $0x88, $3  }
0x1: {  	(tag) =	ssettag $0x0;
	lr =	simm.s32 $0x1  }
0x2: {  	[smem:$0x3F96] =	sst lr;
	_ =	strace $0xD0000000  }
0x3: {  	_ = 	snop  }
0x4: {  	_ = 	snop  }
0x5: {  	_ = 	snop  }
0x6: {  	_ = 	snop  }
0x7: {  	_ = 	snop  }
__scs_overlays_trampoline_lowered:
0x8: {  	[smem:$0x3FA5] =	sst s0  }
0x9: {  	[smem:$0x3FA6] =	sst s1  }
0xa: {  	[smem:$0x3FA7] =	sst s2  }
0xb: {  	[smem:$0x3FA8] =	sst s3  }
0xc: {  	[smem:$0x3FA9] =	sst s4  }
0xd: {  	[smem:$0x3FAA] =	sst s5  }
0xe: {  	[smem:$0x3FAB] =	sst s6  }
0xf: {  	[smem:$0x3FAC] =	sst s7  }
0x10: {  	[smem:$0x3FAD] =	sst s8  }
0x11: {  	[smem:$0x3FAE] =	sst s9;
	s0 =	simm.s32 @!p0 $0x0  }
0x12: {  	s1 =	sld [smem:$0x3F94];
	s0 =	simm.s32 @p0 $0x1  }
0x13: {  	[smem:$0x3FAF] =	sst s0;
	s0 =	simm.s32 @!p1 $0x0  }
0x14: {  	s2 =	sld [smem:$0x3F93];
	s0 =	simm.s32 @p1 $0x1  }
0x15: {  	[smem:$0x3FB0] =	sst s0;
	s0 =	simm.s32 @!p2 $0x0  }
0x16: {  	s3 =	sld [smem:$0x3FDB];
	s0 =	simm.s32 @p2 $0x1  }
0x17: {  	s4 =	simm.s32 $0x1BF5;
	[smem:$0x3FB2] =	sst s0  }
0x18: {  	s0 =	sld [smem:$0x3F95];
	_ =	swait.ge [sflag:s4], $0x0  }
0x19: {  	s7 =	sld [smem:$0x3F96]  }
0x1a: {  	s8 =	sadd.s32 $0xFFFFE003, lr  }
0x1b: {  	s9 =	sadd.s32 $0xFFFFFEF7, lr;
	s5 =	simm.s32 $0xFFFFFFFF;
	p2 =	slt.u32 s8, $0xFFFFF086  }
0x1c: {  	p1 =	slt.u32 s9, $0xF7A;
	s5 =	simm.s32 @!p2 $0x0  }
0x1d: {  	s5 =	simm.s32 @p1 $0x1;
	p0 =	seq.s32 s7, s2  }
0x1e: {  	s7 =	smul.u32 @!p0 $0xF7A, s2;
	p2 =	seq.s32 @!p0 s5, $0x0  }
0x1f: {  	s9 =	smul.u32 $0xF7A, s1;
	s8 =	simm.s32 @!p0 $0x1BF5;
	p2 =	por !p2, p0  }
0x20: {  	[sflag:s8] =	ssyncset.s32 @!p0 $0xFFFFF086;
	s6 =	sadd.s32 @!p0 s3, s7;
	s7 =	simm.s32 @!p0 $0x108  }
0x21: {  	s3 =	sadd.s32 s3, s9;
	s6 =	sadd.s32 @!p0 $0x88, s6;
	s7 =	simm.s32 @p2 $0x1082  }
0x22: {  	[simem:s7], [sflag:s8] =	dma.local @!p0 [hbm:s6], $0xF7A  }
0x23: {  	s9 =	sor.u32 $0xD0000000, s2;
	s6 =	simm.s32 $0x108;
	_ =	swait.ge @!p0 [sflag:s8], $0x0  }
0x24: {  	s3 =	sadd.s32 $0x88, s3;
	s6 =	simm.s32 @!p1 $0x1082;
	[sflag:s4] =	ssyncset.s32 $0xFFFFF086  }
0x25: {  	[simem:s6], [sflag:s4] =	dma.local [hbm:s3], $0xF7A  }
0x26: {  	[smem:$0x3F96] =	sst s1;
	(tag) =	ssettag s2;
	_ =	strace s9  }
0x27: {  	s1 =	sld [smem:$0x3FA6]  }
0x28: {  	s2 =	sld [smem:$0x3FA7]  }
0x29: {  	s4 =	sld [smem:$0x3FA9]  }
0x2a: {  	p0 =	seq.s32 s5, $0x0;
	s5 =	sld [smem:$0x3FAA]  }
0x2b: {  	s6 =	sld [smem:$0x3FAB]  }
0x2c: {  	s7 =	sld [smem:$0x3FAC]  }
0x2d: {  	s3 =	simm.s32 $0x108;
	s8 =	sld [smem:$0x3FAD]  }
0x2e: {  	s3 =	simm.s32 @!p0 $0x1082;
	s9 =	sld [smem:$0x3FAE]  }
0x2f: {  	lr =	sadd.s32 s0, s3;
	s0 =	sld [smem:$0x3FA5]  }
0x30: {  	s3 =	sld [smem:$0x3FA8]  }
0x31: {  	[smem:$0x3FB1] =	sst s10  }
0x32: {  	s10 =	sld [smem:$0x3FAF];
	_ =	sdelay $0x3  }
0x33: {  	p0 =	seq.s32 s10, $0x1;
	s10 =	sld [smem:$0x3FB1];
	_ =	sdelay $0x3  }
0x34: {  	[smem:$0x3FB1] =	sst s10  }
0x35: {  	s10 =	sld [smem:$0x3FB0];
	_ =	sdelay $0x3  }
0x36: {  	p1 =	seq.s32 s10, $0x1;
	s10 =	sld [smem:$0x3FB1];
	_ =	sdelay $0x3  }
0x37: {  	[smem:$0x3FB1] =	sst s10  }
0x38: {  	s10 =	sld [smem:$0x3FB2]  }
0x39: {  	_ = 	snop;
	(pc) =	sbr.ind lr, $3  }
0x3a: {  	_ = 	snop  }
0x3b: {  	_ = 	snop  }
0x3c: {  	p2 =	seq.s32 s10, $0x1;
	s10 =	sld [smem:$0x3FB1]  }
0x3d: {  	_ =	shalt  }
0x3e: {  	_ =	shalt  }
0x3f: {  	_ =	shalt  }
0x40: {  	_ =	shalt  }
0x41: {  	_ =	shalt  }
0x42: {  	_ =	shalt  }
0x43: {  	_ =	shalt  }
0x44: {  	_ =	shalt  }
0x45: {  	_ =	shalt  }
0x46: {  	_ =	shalt  }
0x47: {  	_ =	shalt  }
0x48: {  	_ =	shalt  }
0x49: {  	_ =	shalt  }
0x4a: {  	_ =	shalt  }
0x4b: {  	_ =	shalt  }
0x4c: {  	_ =	shalt  }
0x4d: {  	_ =	shalt  }
0x4e: {  	_ =	shalt  }
0x4f: {  	_ =	shalt  }
0x50: {  	_ =	shalt  }
0x51: {  	_ =	shalt  }
0x52: {  	_ =	shalt  }
0x53: {  	_ =	shalt  }
0x54: {  	_ =	shalt  }
0x55: {  	_ =	shalt  }
0x56: {  	_ =	shalt  }
0x57: {  	_ =	shalt  }
0x58: {  	_ =	shalt  }
0x59: {  	_ =	shalt  }
0x5a: {  	_ =	shalt  }
0x5b: {  	_ =	shalt  }
0x5c: {  	_ =	shalt  }
0x5d: {  	_ =	shalt  }
0x5e: {  	_ =	shalt  }
0x5f: {  	_ =	shalt  }
0x60: {  	_ =	shalt  }
0x61: {  	_ =	shalt  }
0x62: {  	_ =	shalt  }
0x63: {  	_ =	shalt  }
0x64: {  	_ =	shalt  }
0x65: {  	_ =	shalt  }
0x66: {  	_ =	shalt  }
0x67: {  	_ =	shalt  }
0x68: {  	_ =	shalt  }
0x69: {  	_ =	shalt  }
0x6a: {  	_ =	shalt  }
0x6b: {  	_ =	shalt  }
0x6c: {  	_ =	shalt  }
0x6d: {  	_ =	shalt  }
0x6e: {  	_ =	shalt  }
0x6f: {  	_ =	shalt  }
0x70: {  	_ =	shalt  }
0x71: {  	_ =	shalt  }
0x72: {  	_ =	shalt  }
0x73: {  	_ =	shalt  }
0x74: {  	_ =	shalt  }
0x75: {  	_ =	shalt  }
0x76: {  	_ =	shalt  }
0x77: {  	_ =	shalt  }
0x78: {  	_ =	shalt  }
0x79: {  	_ =	shalt  }
0x7a: {  	_ =	shalt  }
0x7b: {  	_ =	shalt  }
0x7c: {  	_ =	shalt  }
0x7d: {  	_ =	shalt  }
0x7e: {  	_ =	shalt  }
0x7f: {  	_ =	shalt  }
0x80: {  	_ =	shalt  }
0x81: {  	_ =	shalt  }
0x82: {  	_ =	shalt  }
0x83: {  	_ =	shalt  }
0x84: {  	_ =	shalt  }
0x85: {  	_ =	shalt  }
0x86: {  	_ =	shalt  }
0x87: {  	_ =	shalt  }
.Lfunc_end0:
.L_simem_size_0:
called_computation_lowered:
.L_overlay_start_0:
0x88: {  	s2 =	sld [smem:$0x3FD9]  }
0x89: {  	s3 =	sld [smem:$0x3FFE];
	_ =	sdelay $0x1  }
0x8a: {  	s1 =	srdreg.scid  }
0x8b: {  	s0 =	sand.u32 $0x1, s1  }
0x8c: {  	s17 =	sshll.u32 s0, $0xA;
	s2 =	sadd.s32 s3, s2  }
0x8d: {  	s2 =	sadd.s32 s2, s17  }
0x8e: {  	[smem:$0x3FBD] =	sst s2  }
0x8f: {  	_ = 	snop  }
0x90: {  	s2 =	sld [smem:$0x3FC7]  }
0x91: {  	s18 =	sld [smem:$0x3FD0];
	(tm) =	ssettm $0x1  }
0x92: {  	s4 =	sld [smem:$0x3FFB];
	_ =	sdelay $0x3  }
0x93: {  	_ =	strace s4  }
0x94: {  	s4 =	sld [smem:$0x3FFC];
	_ =	sdelay $0x3  }
0x95: {  	_ =	strace s4  }
0x96: {  	s4 =	sld [smem:$0x3FFD];
	_ =	sdelay $0x3  }
0x97: {  	_ =	strace s4  }
0x98: {  	_ =	strace $0x8FFFFFFF  }
0x99: {  	s19 =	sld [smem:$0x3FDB];
	_ =	sdelay $0x1  }
0x9a: {  	s5 =	simm.s32 $_scs_section_size  }
0x9b: {  	s6 =	simm.s32 $_size__tile_overlayer_lowered;
	s7 =	simm.s32 $_tile_overlayer_lowered  }
0x9c: {  	s22 =	simm.s32 $0x1BFF;
	s21 =	sshll.u32 s7, $0x1;
	s4 =	sadd.s32 s5, s19  }
0x9d: {  	s8 =	simm.s32 $0x0;
	s20 =	sshll.u32 s6, $0x1;
	s6 =	sadd.s32 s21, s4  }
0x9e: {  	[timem:s8], [sflag:s22] =	dma.local [hbm:s6], s20  }
0x9f: {  	_ =	swait.ge [sflag:s22], s20  }
0xa0: {  	s5 =	ssub.s32 $0x0, s20;
	[sflag:s22] =	ssyncset.done $0x0  }
0xa1: {  	[sflag:s22] =	ssyncadd.s32 s5;
	_ =	sdelay $0x1  }
0xa2: {  	s23 =	simm.s32 $0x1B8B  }
0xa3: {  	_ =	swait.ge [sflag:s23], $0x1  }
0xa4: {  	[sflag:s23] =	ssyncset.done $0x0  }
0xa5: {  	s25 =	simm.s32 $0x1B8E;
	s24 =	sld [smem:$0x3FFE];
	[sflag:s23] =	ssyncadd.s32 $0xFFFFFFFF  }
0xa6: {  	s26 =	simm.s32 $execute0_lowered;
	[smem:$0x3FD2] =	sst s25  }
0xa7: {  	s6 =	sshll.u32 s26, $0x1;
	_ =	strace $0x80000046;
	[dreg:$0x1] =	wrdreg $0xFFFFFFFF  }
0xa8: {  	s28 =	simm.s32 $_size_execute0_lowered;
	s4 =	sadd.s32 s4, s6;
	[dreg:$0x0] =	wrdreg $0x0  }
0xa9: {  	s6 =	sshll.u32 s28, $0x1;
	[dreg:$0x2] =	wrdreg s4  }
0xaa: {  	[dreg:$0x3] =	wrdreg s6  }
0xab: {  	[dreg:$0x4] =	wrdreg $0xC0  }
0xac: {  	_ =	task [dreg:s8], $0x5FFFF  }
0xad: {  	[dreg:$0x1] =	wrdreg $0xFFFFFFFF  }
0xae: {  	[dreg:$0x0] =	wrdreg $0x60  }
0xaf: {  	[dreg:$0x2] =	wrdreg s24  }
0xb0: {  	[dreg:$0x3] =	wrdreg s2  }
0xb1: {  	[dreg:$0x4] =	wrdreg s18  }
0xb2: {  	[dreg:$0x5] =	wrdreg $0x9  }
0xb3: {  	_ =	task.clear_ibuf [dreg:s8], $0x6FFFF;
	_ =	strace $0x90000046  }
0xb4: {  	s29 =	simm.s32 $0x9;
	_ =	strace $0x80000048  }
0xb5: {  	_ =	swait.ge [sflag:s29], $0x1  }
0xb6: {  	[sflag:s29] =	ssyncadd.s32 $0xFFFFFFFF  }
0xb7: {  	_ =	strace $0x90000048  }
0xb8: {  	_ =	sfence  }
0xb9: {  	s30 =	sld [smem:$0x0];
	_ =	sdelay $0x2  }
0xba: {  	s31 =	sshll.u32 s1, $0xD;
	s1 =	sshrl.u32 s1, $0x2  }
0xbb: {  	s3 =	sand.u32 $0x4000, s31;
	s1 =	sadd.s32 s1, s30  }
0xbc: {  	s0 =	sor.u32 s3, s0;
	s1 =	sshll.u32 s1, $0x11  }
0xbd: {  	s0 =	sor.u32 s1, s0  }
0xbe: {  	s0 =	sadd.s32 $0x8F2B, s0  }
0xbf: {  	[sflag:s0] =	ssyncadd.remote.s32 $0x1  }
0xc0: {  	_ =	sfence.sel $0xFFFF  }
0xc1: {  	[dreg:$0x0] =	wrdreg $0xFFFFFFFF;
	(pc) =	sbr.abs _section_cstart, $3  }
0xc2: {  	[dreg:$0x1] =	wrdreg $0xFFFFFFFF  }
0xc3: {  	_ =	task.clear_ibuf [dreg:s8], $0x2FFFF;
	_ =	strace $0x9FFFFFFF  }
0xc4: {  	(tm) =	ssettm $0x7FFFFFFF  }
0xc5: {  	_ =	shalt  }
tec
execute0_lowered:
.L_overlay_start_1:
0x0: {  	(tag) =	ssettag $0x1  }
0x1: {  	s3 =	rddreg [dreg:$0x0]  }
0x2: {  	s4 =	rddreg [dreg:$0x1]  }
0x3: {  	s1 =	srdreg.scid;
	s0 =	stileid.u32  }
0x4: {  	s5 =	rddreg [dreg:$0x2];
	s2 =	simm.s32 $0x0;
	s6 =	sand.u32 $0x1, s1  }
0x5: {  	s7 =	sshll.u32 s0, $0x1;
	s1 =	rddreg [dreg:$0x3];
	s9 =	sshrl.u32 s0, $0x2  }
0x6: {  	[smem:$0x7FF] =	sst s2;
	s7 =	sor.u32 s6, s7;
	s9 =	smul.u32 $0x28000, s9  }
0x7: {  	s6 =	ssub.s32 $0x2, s6;
	s8 =	smul.u32 $0x271, s7;
	s7 =	sshll.u32 s7, $0x7  }
0x8: {  	_ =	strace $0x80000047;
	s10 =	sshrl.u32 s6, $0x1;
	s7 =	sand.u32 $0x380, s7  }
0x9: {  	v0 =	vlaneseq.u32;
	s6 =	ssub.s32 s6, s10;
	s10 =	simm.s32 $0x400;
	s3 =	sadd.s32 s8, s3  }
0xa: {  	v1 =	vmul.u32 $0xFFFFFFFF, v0;
	s7 =	sor.u32 s9, s7;
	s4 =	sadd.s32 s4, s8;
	s6 =	smax.u32 s6, $0x1  }
0xb: {  	s8 =	simm.s32 $0x2800;
	s9 =	simm.s32 $0x80;
	s7 =	sshrl.u32 s7, $0x3  }
0xc: {  	v2 =	vimm.f32 $1.000000000e+00;
	v0 =	vimm.f32 $0.0e+00;
	v1 =	vadd.s32 $0x1388, v1;
	s3 =	sadd.s32 $0x7A00, s3;
	s5 =	sadd.s32 s5, s7;
	s7 =	simm.s32 $0x1  }
.LBB2_1:
0xd: {  	s11 =	simm.s32 $0x40;
	s12 =	simm.s32 $0x0  }
.LBB2_2:
0xe: {  	p0 =	sne.s32 s11, $0x13FC0;
	[tilespmem:s12+$0x2800] =	vst v0;
	s12 =	smov.u32 s11;
	s11 =	sadd.s32 $0x40, s11  }
.Ltmp0:
0xf: {  	(pc) =	sbr.rel @p0 .LBB2_2-.Ltmp0, $2  }
0x10: {  	_ =	sdelay $0x2  }
0x11: {  	s12 =	sshra.s32 s12, $0x2  }
0x12: {  	[tilespmem:s12+$0x2800] =	vst v0;
	s31 =	simm.s32 $0x0  }
0x13: {  	[tilespmem:s31], [sflag:$0x1] =	stream.linear.gather [hbm4b:s3+s31], $0x1388, $0x38;
	[tilespmem:$0x7800] =	vst v63  }
0x14: {  	_ =	swait.ge [sflag:s7], $0x1388  }
0x15: {  	[sflag:s7] =	ssyncset.done $0x0  }
0x16: {  	s11 =	simm.s32 $0x1400;
	[sflag:s7] =	ssyncadd.s32 $0xFFFFEC78  }
0x17: {  	[tilespmem:s11], [sflag:$0x1] =	stream.linear.gather [hbm4b:s4+s31], $0x1388, $0x38;
	[tilespmem:$0x7800] =	vst v63  }
0x18: {  	_ =	swait.ge [sflag:s7], $0x1388  }
0x19: {  	[sflag:s7] =	ssyncset.done $0x0  }
0x1a: {  	[sflag:s7] =	ssyncadd.s32 $0xFFFFEC78  }
0x1b: {  	v3 =	vld [tilespmem:s31+$0x0];
	_ =	sdelay $0x1  }
0x1c: {  	v4 =	vmov s31  }
0x1d: {  	vm0 =	vlt.u32 v4, v1  }
0x1e: {  	v4 =	vld [tilespmem:s11+$0x0]  }
0x1f: {  	v5 =	vadd.s32 $0x2800, v3;
	_ =	sdelay $0x3  }
0x20: {  	[tilespmem:v3+s8+$0x0] =	vst.idx.add.f32.msk vm0, v4  }
0x21: {  	s12 =	simm.s32 $0x10;
	[tilespmem:v5+s8+$0x0] =	vst.idx.add.f32.msk vm0, v2  }
0x22: {  	s13 =	simm.s32 $0x20;
	s14 =	simm.s32 $0x10;
	v3 =	vld [tilespmem:s12+$0x0]  }
.LBB2_4:
0x23: {  	p0 =	sne.s32 s13, $0x1380  }
0x24: {  	v4 =	vmov s12;
	s12 =	smov.u32 s13  }
0x25: {  	s11 =	sadd.s32 $0x10, s11;
	vm0 =	vlt.u32 v4, v1  }
0x26: {  	v4 =	vld [tilespmem:s11+$0x0]  }
0x27: {  	v5 =	vadd.s32 $0x2800, v3;
	_ =	sdelay $0x1  }
.Ltmp1:
0x28: {  	(pc) =	sbr.rel @p0 .LBB2_4-.Ltmp1, $4  }
0x29: {  	_ = 	snop  }
0x2a: {  	[tilespmem:v3+s8+$0x0] =	vst.idx.add.f32.msk vm0, v4  }
0x2b: {  	s14 =	sadd.s32 $0x10, s14;
	[tilespmem:v5+s8+$0x0] =	vst.idx.add.f32.msk vm0, v2  }
0x2c: {  	s13 =	sadd.s32 $0x10, s13;
	v3 =	vld [tilespmem:s14+$0x0]  }
0x2d: {  	_ = 	snop  }
0x2e: {  	v4 =	vmov s12  }
0x2f: {  	s11 =	sadd.s32 $0x10, s11;
	vm0 =	vlt.u32 v4, v1  }
0x30: {  	v63 =	vld [tilespmem:s11+$0x0]  }
0x31: {  	v5 =	vadd.s32 $0x2800, v3;
	_ =	sdelay $0x2  }
0x32: {  	s2 =	sadd.s32 $0x1, s2  }
0x33: {  	p0 =	sne.s32 s2, s6;
	[tilespmem:v3+s8+$0x0] =	vst.idx.add.f32.msk vm0, v63  }
.Ltmp2:
0x34: {  	[tilespmem:v5+s8+$0x0] =	vst.idx.add.f32.msk vm0, v2;
	(pc) =	sbr.rel @p0 .LBB2_1-.Ltmp2, $4  }
0x35: {  	[hbm4b:s5+s9] =	stream.strided.scatter [tilespmem:s8], [sflag:$0x1], $0x5000, s10, s9, $0x38;
	[tilespmem:$0x7800] =	vst v63  }
0x36: {  	_ =	swait.ge [sflag:s7], $0x5000  }
0x37: {  	[sflag:s7] =	ssyncset.done $0x0  }
0x38: {  	[sflag:s7] =	ssyncadd.s32 $0xFFFFB000  }
0x39: {  	_ =	sfence.sel $0x180000  }
0x3a: {  	[bflag:$0x0] =	sbarrier.arrive $0xFFFF  }
0x3b: {  	p0 =	sne.s32 s0, $0x0;
	_ =	strace $0x90000047  }
0x3c: {  	s0 =	sadd.s32 @!p0 $0x100000, s1;
	[bflag:$0x2] =	sbarrier.arrive $0xFFFF  }
0x3d: {  	[sflag:s0] =	ssyncadd.tile.s32 @!p0 $0x1;
	_ =	shalt  }
.Lfunc_end2:
_tile_overlayer_lowered:
.L_overlay_start_2:
0x3e: {  	(tag) =	ssettag $0x2  }
0x3f: {  	s0 =	rddreg [dreg:$0x0];
	s2 =	stileid.u32  }
0x40: {  	s1 =	rddreg [dreg:$0x1];
	p0 =	sne.s32 s2, $0x0  }
0x41: {  	s3 =	rddreg [dreg:$0x2];
	[bflag:$0x3] =	sbarrier.arrive $0xFFFF;
	s2 =	simm.s32 @!p0 $0x1C01  }
0x42: {  	[timem:s3], [sflag:s2] =	dma.local @!p0 [hbm:s0], s1  }
0x43: {  	s0 =	simm.s32 @!p0 $0x1  }
0x44: {  	_ =	swait.ge @!p0 [sflag:s0], s1  }
0x45: {  	s1 =	ssub.s32 @!p0 $0x0, s1;
	[sflag:s0] =	ssyncset.done @!p0 $0x0  }
0x46: {  	[sflag:s0] =	ssyncadd.s32 @!p0 s1  }
0x47: {  	[bflag:$0x3] =	sbarrier.arrive $0xFFFF  }
0x48: {  	_ =	shalt  }

</sc_bundles>
